<compile_context>
chip_gen: v7x
topology: tpu7x:2x2x1
jax: 0.10.2.dev20260603
libtpu: 0.0.44.dev20260713+nightly
codegen_flags: <defaults>
</compile_context>

<pallas_src>
import functools

import jax
import jax.numpy as jnp
from jax import lax
from jax.experimental import pallas as pl
from jax.experimental.pallas import tpu as pltpu
from jax.experimental.pallas import tpu_sc as plsc

N_TEAMS = 100000
N_CONFS = 1000
D = 128
B = 16384

NC = 2
NS = 16
NW = NC * NS
CHUNK = 128
N_BUF = 7
PREFETCH = 4
N_SPLIT = 2
NCP = 1024


def _sc_gather_body(n_chunks, id_row0,
                    team_off, team_def,
                    wt_ids, lt_ids,
                    t_wo, t_wd, t_lo, t_ld,
                    *scratch):
    rows = scratch[:N_BUF]
    idxs = scratch[N_BUF:N_BUF + 2]
    g_sems = scratch[N_BUF + 2:2 * N_BUF + 2]
    wb_sems = scratch[2 * N_BUF + 2:3 * N_BUF + 2]
    idx_sem = scratch[3 * N_BUF + 2]

    wid = lax.axis_index("s") * NC + lax.axis_index("c")
    base = wid * n_chunks * CHUNK

    idescs = [
        pltpu.async_copy(
            ids.at[pl.ds(id_row0 + wid * n_chunks, n_chunks)], idx, idx_sem)
        for ids, idx in zip((wt_ids, lt_ids), idxs)
    ]
    for dsc in idescs:
        dsc.wait()

    ops = []
    for c in range(n_chunks):
        off = base + c * CHUNK
        for idx, t_a, o_a, t_b, o_b in (
                (idxs[0], team_off, t_wo, team_def, t_wd),
                (idxs[1], team_off, t_lo, team_def, t_ld)):
            ops.append((idx.at[c], t_a, o_a, off))
            ops.append((idx.at[c], t_b, o_b, off))

    n_ops = len(ops)
    g_descs = [None] * n_ops
    wb_descs = [None] * n_ops

    def fire(j):
        b = j % N_BUF
        if j >= N_BUF and wb_descs[j - N_BUF] is not None:
            wb_descs[j - N_BUF].wait()
        idx, tbl = ops[j][0], ops[j][1]
        g_descs[j] = pltpu.async_copy(tbl.at[idx], rows[b], g_sems[b])

    for j in range(min(PREFETCH, n_ops)):
        fire(j)
    for j in range(n_ops):
        if j + PREFETCH < n_ops:
            fire(j + PREFETCH)
        b = j % N_BUF
        g_descs[j].wait()
        out, off = ops[j][2], ops[j][3]
        wb_descs[j] = pltpu.async_copy(
            rows[b], out.at[pl.ds(off, CHUNK)], wb_sems[b])
    for j in range(n_ops - N_BUF, n_ops):
        wb_descs[j].wait()


def _sc_gather(nb, h, team_off, team_def, wt_ids, lt_ids):
    n_chunks = nb // (NW * CHUNK)
    out = jax.ShapeDtypeStruct((nb, D), jnp.float32)
    mesh = plsc.VectorSubcoreMesh(core_axis_name="c", subcore_axis_name="s")
    return pl.kernel(
        functools.partial(_sc_gather_body, n_chunks, h * (nb // CHUNK)),
        out_type=[out] * 4,
        mesh=mesh,
        scratch_types=(
            [pltpu.VMEM((CHUNK, D), jnp.float32)] * N_BUF
            + [pltpu.VMEM((n_chunks, CHUNK), jnp.int32)] * 2
            + [pltpu.SemaphoreType.DMA] * (2 * N_BUF + 1)
        ),
    )(team_off, team_def, wt_ids, lt_ids)


BM = 1024


def _tc_mlp_body(t_wo, t_wd, t_lo, t_ld, wc_ids, lc_ids, conf_cat,
                 wloc, lloc, W1, b1, W2r, b2, aw, ab, hw,
                 wscore, lscore):
    col = lax.broadcasted_iota(jnp.int32, (BM, NCP), 1)
    oh_w = (col == wc_ids[...].reshape(BM, 1)).astype(jnp.bfloat16)
    oh_l = (col == lc_ids[...].reshape(BM, 1)).astype(jnp.bfloat16)
    conf_w = jnp.dot(oh_w, conf_cat[...], preferred_element_type=jnp.float32)
    conf_l = jnp.dot(oh_l, conf_cat[...], preferred_element_type=jnp.float32)
    wo = t_wo[...] + conf_w[:, :D]
    wd = t_wd[...] + conf_w[:, D:]
    lo = t_lo[...] + conf_l[:, :D]
    ld = t_ld[...] + conf_l[:, D:]
    W1a = W1[:D, :]
    W1b = W1[D:, :]
    bias = b1[...]
    h_w = jnp.maximum(
        jnp.dot(wo, W1a, preferred_element_type=jnp.float32)
        + jnp.dot(ld, W1b, preferred_element_type=jnp.float32) + bias, 0.0)
    h_l = jnp.maximum(
        jnp.dot(lo, W1a, preferred_element_type=jnp.float32)
        + jnp.dot(wd, W1b, preferred_element_type=jnp.float32) + bias, 0.0)
    dn = (((1,), (1,)), ((), ()))
    w2row = W2r[...]
    ws = lax.dot_general(w2row, h_w, dn,
                         preferred_element_type=jnp.float32) + b2[0, 0]
    ls = lax.dot_general(w2row, h_l, dn,
                         preferred_element_type=jnp.float32) + b2[0, 0]
    a_w = aw[0, 0]
    a_b = ab[0, 0]
    h_f = hw[0, 0]
    wscore[...] = ws * a_w + a_b + wloc[...] * h_f
    lscore[...] = ls * a_w + a_b + lloc[...] * h_f


def _tc_mlp(h, t_wo, t_wd, t_lo, t_ld, wc_ids, lc_ids, conf_cat,
            wloc, lloc, W1, b1, W2, b2, aw, ab, hw):
    nb = t_wo.shape[0]
    grid = (nb // BM,)
    off = h * (nb // BM)
    row_spec = pl.BlockSpec((BM, D), lambda i: (i, 0))
    vec_spec = pl.BlockSpec((1, BM), lambda i: (0, i))
    vec_off = pl.BlockSpec((1, BM), lambda i: (0, i + off))
    full = lambda shape: pl.BlockSpec(shape, lambda i: (0,) * len(shape))
    return pl.pallas_call(
        _tc_mlp_body,
        grid=grid,
        in_specs=[row_spec] * 4 + [vec_off] * 2 + [full((NCP, 2 * D))]
        + [vec_off] * 2 + [
            full((2 * D, D)), full((1, D)), full((1, D)),
            full((1, 1)), full((1, 1)), full((1, 1)), full((1, 1)),
        ],
        out_specs=[vec_spec, vec_spec],
        out_shape=[jax.ShapeDtypeStruct((1, nb), jnp.float32)] * 2,
    )(t_wo, t_wd, t_lo, t_ld, wc_ids, lc_ids, conf_cat,
      wloc, lloc, W1, b1, W2, b2, aw, ab, hw)


def kernel(team_offense, team_defense, conf_offense, conf_defense,
           winner_team_id, loser_team_id, winner_conf_id, loser_conf_id,
           winner_location, loser_location,
           W1, b1, W2, b2, affine_w, affine_b, home_w):
    nb = B // N_SPLIT
    conf_cat = jnp.zeros((NCP, 2 * D), dtype=jnp.bfloat16)
    conf_cat = lax.dynamic_update_slice(
        conf_cat,
        jnp.concatenate([conf_offense, conf_defense],
                        axis=1).astype(jnp.bfloat16),
        (0, 0))
    wt = winner_team_id.astype(jnp.int32).reshape(B // CHUNK, CHUNK)
    lt = loser_team_id.astype(jnp.int32).reshape(B // CHUNK, CHUNK)
    wc = winner_conf_id.astype(jnp.int32).reshape(1, B)
    lc = loser_conf_id.astype(jnp.int32).reshape(1, B)
    wlocr = winner_location.reshape(1, B)
    llocr = loser_location.reshape(1, B)
    b1r = b1.reshape(1, D)
    b2r = b2.reshape(1, 1)
    abr = affine_b.reshape(1, 1)
    w2r = W2.reshape(1, D)
    scores = []
    for h in range(N_SPLIT):
        t_wo, t_wd, t_lo, t_ld = _sc_gather(
            nb, h, team_offense, team_defense, wt, lt)
        scores.append(_tc_mlp(
            h, t_wo, t_wd, t_lo, t_ld, wc, lc, conf_cat,
            wlocr, llocr,
            W1, b1r, w2r, b2r, affine_w, abr, home_w))
    wscore = jnp.concatenate([s[0] for s in scores], axis=1).reshape(B, 1)
    lscore = jnp.concatenate([s[1] for s in scores], axis=1).reshape(B, 1)
    return (wscore, lscore)

# --- scband reference (transcript-rebuilt; emitter-appended) ---
"""Pipeline reference for scband-score-model-82162724372761 (READ-ONLY COPY).

The authoritative reference and input builder live on the scoring server;
editing this copy changes nothing except your own understanding.
"""

import jax, jax.numpy as jnp
import numpy as np

N_TEAMS = 100000
N_CONFS = 1000
D = 128
B = 16384

def setup_inputs(seed: int = 0) -> dict:
    key = jax.random.key(seed)
    ks = jax.random.split(key, 20)
    inp = {}
    inp['team_offense'] = jax.random.normal(ks[0], (N_TEAMS, D), dtype=jnp.float32)
    inp['team_defense'] = jax.random.normal(ks[1], (N_TEAMS, D), dtype=jnp.float32)
    inp['conf_offense'] = jax.random.normal(ks[2], (N_CONFS, D), dtype=jnp.float32)
    inp['conf_defense'] = jax.random.normal(ks[3], (N_CONFS, D), dtype=jnp.float32)
    inp['winner_team_id'] = jax.random.randint(ks[4], (B,), 0, N_TEAMS, dtype=jnp.int64 if jax.config.jax_enable_x64 else jnp.int32)
    inp['loser_team_id'] = jax.random.randint(ks[5], (B,), 0, N_TEAMS, dtype=jnp.int64 if jax.config.jax_enable_x64 else jnp.int32)
    inp['winner_conf_id'] = jax.random.randint(ks[6], (B,), 0, N_CONFS, dtype=jnp.int64 if jax.config.jax_enable_x64 else jnp.int32)
    inp['loser_conf_id'] = jax.random.randint(ks[7], (B,), 0, N_CONFS, dtype=jnp.int64 if jax.config.jax_enable_x64 else jnp.int32)
    inp['winner_location'] = jax.random.uniform(ks[8], (B, 1), dtype=jnp.float32)
    inp['loser_location'] = jax.random.uniform(ks[9], (B, 1), dtype=jnp.float32)
    # learned parameters: inner skill model (MLP on concat(offense, defense))
    inp['W1'] = jax.random.normal(ks[10], (2 * D, D), dtype=jnp.float32) * (1.0 / np.sqrt(2 * D))
    inp['b1'] = jnp.zeros((D,), dtype=jnp.float32)
    inp['W2'] = jax.random.normal(ks[11], (D, 1), dtype=jnp.float32) * (1.0 / np.sqrt(D))
    inp['b2'] = jnp.zeros((1,), dtype=jnp.float32)
    # affine = Linear(1, 1); home_field = Linear(1, 1, bias=False)
    inp['affine_w'] = jax.random.normal(ks[12], (1, 1), dtype=jnp.float32)
    inp['affine_b'] = jnp.zeros((1,), dtype=jnp.float32)
    inp['home_w'] = jax.random.normal(ks[13], (1, 1), dtype=jnp.float32)
    return inp


def reference(team_offense, team_defense, conf_offense, conf_defense,
              winner_team_id, loser_team_id, winner_conf_id, loser_conf_id,
              winner_location, loser_location,
              W1, b1, W2, b2, affine_w, affine_b, home_w):
    def sum_along(team_tbl, conf_tbl, team_id, conf_id):
        return jnp.take(team_tbl, team_id, axis=0) + jnp.take(conf_tbl, conf_id, axis=0)

    winner_offense = sum_along(team_offense, conf_offense, winner_team_id, winner_conf_id)
    winner_defense = sum_along(team_defense, conf_defense, winner_team_id, winner_conf_id)
    loser_offense = sum_along(team_offense, conf_offense, loser_team_id, loser_conf_id)
    loser_defense = sum_along(team_defense, conf_defense, loser_team_id, loser_conf_id)

    def model(offense, defense):
        h = jnp.concatenate([offense, defense], axis=-1)
        h = jnp.maximum(h @ W1 + b1, 0.0)
        return h @ W2 + b2

    winner_skill = model(winner_offense, loser_defense)
    loser_skill = model(loser_offense, winner_defense)

    winner_score = winner_skill @ affine_w.T + affine_b + winner_location @ home_w.T
    loser_score = loser_skill @ affine_w.T + affine_b + loser_location @ home_w.T
    return (winner_score, loser_score)

if __name__ == "__main__":
    import jax
    _d = setup_inputs()
    print(jax.jit(kernel)(*tuple(_d.values())))

</pallas_src>

<mosaic_0001>
#map = affine_map<(d0, d1) -> (0, 0)>
module attributes {stable_mosaic.version = 14 : i64} {
  func.func @_sc_gather_body(%arg0: i32, %arg1: i32, %arg2: memref<100000x128xf32, #tpu.memory_space<hbm>>, %arg3: memref<100000x128xf32, #tpu.memory_space<hbm>>, %arg4: memref<128x128xi32, #tpu.memory_space<hbm>>, %arg5: memref<128x128xi32, #tpu.memory_space<hbm>>, %arg6: memref<8192x128xf32, #tpu.memory_space<hbm>>, %arg7: memref<8192x128xf32, #tpu.memory_space<hbm>>, %arg8: memref<8192x128xf32, #tpu.memory_space<hbm>>, %arg9: memref<8192x128xf32, #tpu.memory_space<hbm>>, %arg10: memref<128x128xf32, #tpu.memory_space<vmem>>, %arg11: memref<128x128xf32, #tpu.memory_space<vmem>>, %arg12: memref<128x128xf32, #tpu.memory_space<vmem>>, %arg13: memref<128x128xf32, #tpu.memory_space<vmem>>, %arg14: memref<128x128xf32, #tpu.memory_space<vmem>>, %arg15: memref<128x128xf32, #tpu.memory_space<vmem>>, %arg16: memref<128x128xf32, #tpu.memory_space<vmem>>, %arg17: memref<2x128xi32, #tpu.memory_space<vmem>>, %arg18: memref<2x128xi32, #tpu.memory_space<vmem>>, %arg19: memref<!tpu.dma_semaphore, #tpu.memory_space<semaphore_mem>>, %arg20: memref<!tpu.dma_semaphore, #tpu.memory_space<semaphore_mem>>, %arg21: memref<!tpu.dma_semaphore, #tpu.memory_space<semaphore_mem>>, %arg22: memref<!tpu.dma_semaphore, #tpu.memory_space<semaphore_mem>>, %arg23: memref<!tpu.dma_semaphore, #tpu.memory_space<semaphore_mem>>, %arg24: memref<!tpu.dma_semaphore, #tpu.memory_space<semaphore_mem>>, %arg25: memref<!tpu.dma_semaphore, #tpu.memory_space<semaphore_mem>>, %arg26: memref<!tpu.dma_semaphore, #tpu.memory_space<semaphore_mem>>, %arg27: memref<!tpu.dma_semaphore, #tpu.memory_space<semaphore_mem>>, %arg28: memref<!tpu.dma_semaphore, #tpu.memory_space<semaphore_mem>>, %arg29: memref<!tpu.dma_semaphore, #tpu.memory_space<semaphore_mem>>, %arg30: memref<!tpu.dma_semaphore, #tpu.memory_space<semaphore_mem>>, %arg31: memref<!tpu.dma_semaphore, #tpu.memory_space<semaphore_mem>>, %arg32: memref<!tpu.dma_semaphore, #tpu.memory_space<semaphore_mem>>, %arg33: memref<!tpu.dma_semaphore, #tpu.memory_space<semaphore_mem>>) attributes {dimension_semantics = [#tpu.dimension_semantics<core_parallel>, #tpu.dimension_semantics<subcore_parallel>], iteration_bounds = array<i64: 2, 16>, scalar_prefetch = 0 : i64, scratch_operands = 24 : i64, tpu.core_type = #tpu.core_type<sc_vector_subcore>, window_params = [{transform_indices = #map}, {transform_indices = #map}, {transform_indices = #map}, {transform_indices = #map}, {transform_indices = #map}, {transform_indices = #map}, {transform_indices = #map}, {transform_indices = #map}]} {
    %mul3A = arith.constant 2 : i32
    %mul3A_0 = arith.muli %arg1, %mul3A : i32
    %add3A = arith.addi %mul3A_0, %arg0 : i32
    %mul3A_1 = arith.constant 2 : i32
    %mul3A_2 = arith.muli %add3A, %mul3A_1 : i32
    %mul3A_3 = arith.constant 128 : i32
    %mul3A_4 = arith.muli %mul3A_2, %mul3A_3 : i32
    %mul3A_5 = arith.constant 2 : i32
    %mul3A_6 = arith.muli %add3A, %mul3A_5 : i32
    %add3A_7 = arith.constant 0 : i32
    %add3A_8 = arith.addi %add3A_7, %mul3A_6 : i32
    %dma_start3A = arith.constant 0 : i32
    %dma_start3A_9 = tpu.memref_slice %arg4[%add3A_8, %dma_start3A] : memref<128x128xi32, #tpu.memory_space<hbm>> -> memref<2x128xi32, #tpu.memory_space<hbm>>
    %dma_start3A_10 = arith.constant 0 : i32
    %dma_start3A_11 = tpu.memref_slice %arg4[%add3A_8, %dma_start3A_10] : memref<128x128xi32, #tpu.memory_space<hbm>> -> memref<2x128xi32, #tpu.memory_space<hbm>>
    tpu.enqueue_dma source(%dma_start3A_11 : memref<2x128xi32, #tpu.memory_space<hbm>>) target(%arg17 : memref<2x128xi32, #tpu.memory_space<vmem>>) target_semaphore(%arg33 : memref<!tpu.dma_semaphore, #tpu.memory_space<semaphore_mem>>)
    %mul3A_12 = arith.constant 2 : i32
    %mul3A_13 = arith.muli %add3A, %mul3A_12 : i32
    %add3A_14 = arith.constant 0 : i32
    %add3A_15 = arith.addi %add3A_14, %mul3A_13 : i32
    %dma_start3A_16 = arith.constant 0 : i32
    %dma_start3A_17 = tpu.memref_slice %arg5[%add3A_15, %dma_start3A_16] : memref<128x128xi32, #tpu.memory_space<hbm>> -> memref<2x128xi32, #tpu.memory_space<hbm>>
    %dma_start3A_18 = arith.constant 0 : i32
    %dma_start3A_19 = tpu.memref_slice %arg5[%add3A_15, %dma_start3A_18] : memref<128x128xi32, #tpu.memory_space<hbm>> -> memref<2x128xi32, #tpu.memory_space<hbm>>
    tpu.enqueue_dma source(%dma_start3A_19 : memref<2x128xi32, #tpu.memory_space<hbm>>) target(%arg18 : memref<2x128xi32, #tpu.memory_space<vmem>>) target_semaphore(%arg33 : memref<!tpu.dma_semaphore, #tpu.memory_space<semaphore_mem>>)
    %dma_wait3A = arith.constant 0 : i32
    %dma_wait3A_20 = tpu.memref_slice %arg4[%add3A_8, %dma_wait3A] : memref<128x128xi32, #tpu.memory_space<hbm>> -> memref<2x128xi32, #tpu.memory_space<hbm>>
    %dma_wait3A_21 = arith.constant 0 : i32
    %dma_wait3A_22 = tpu.memref_slice %arg4[%add3A_8, %dma_wait3A_21] : memref<128x128xi32, #tpu.memory_space<hbm>> -> memref<2x128xi32, #tpu.memory_space<hbm>>
    tpu.wait_dma2 semaphore(%arg33 : memref<!tpu.dma_semaphore, #tpu.memory_space<semaphore_mem>>) src(%dma_wait3A_22 : memref<2x128xi32, #tpu.memory_space<hbm>>) dst(%arg17 : memref<2x128xi32, #tpu.memory_space<vmem>>)
    %dma_wait3A_23 = arith.constant 0 : i32
    %dma_wait3A_24 = tpu.memref_slice %arg5[%add3A_15, %dma_wait3A_23] : memref<128x128xi32, #tpu.memory_space<hbm>> -> memref<2x128xi32, #tpu.memory_space<hbm>>
    %dma_wait3A_25 = arith.constant 0 : i32
    %dma_wait3A_26 = tpu.memref_slice %arg5[%add3A_15, %dma_wait3A_25] : memref<128x128xi32, #tpu.memory_space<hbm>> -> memref<2x128xi32, #tpu.memory_space<hbm>>
    tpu.wait_dma2 semaphore(%arg33 : memref<!tpu.dma_semaphore, #tpu.memory_space<semaphore_mem>>) src(%dma_wait3A_26 : memref<2x128xi32, #tpu.memory_space<hbm>>) dst(%arg18 : memref<2x128xi32, #tpu.memory_space<vmem>>)
    %add3A_27 = arith.constant 0 : i32
    %add3A_28 = arith.addi %mul3A_4, %add3A_27 : i32
    %add3A_29 = arith.constant 128 : i32
    %add3A_30 = arith.addi %mul3A_4, %add3A_29 : i32
    %dma_start3A_31 = arith.constant 0 : i32
    %dma_start3A_32 = arith.constant 0 : i32
    %dma_start3A_33 = tpu.memref_slice %arg17[%dma_start3A_31, %dma_start3A_32] : memref<2x128xi32, #tpu.memory_space<vmem>> -> memref<1x128xi32, #tpu.memory_space<vmem>>
    %dma_start3A_34 = tpu.memref_squeeze %dma_start3A_33 : memref<1x128xi32, #tpu.memory_space<vmem>> -> memref<128xi32, #tpu.memory_space<vmem>>
    %dma_start3A_35 = arith.constant 0 : i32
    %dma_start3A_36 = arith.constant 0 : i32
    %dma_start3A_37 = tpu.memref_slice %arg2[%dma_start3A_35, %dma_start3A_36] : memref<100000x128xf32, #tpu.memory_space<hbm>> -> memref<100000x128xf32, #tpu.memory_space<hbm>>
    tpu.enqueue_indirect_dma source(%dma_start3A_37 : memref<100000x128xf32, #tpu.memory_space<hbm>>) target(%arg10 : memref<128x128xf32, #tpu.memory_space<vmem>>) offsets(%dma_start3A_34 : memref<128xi32, #tpu.memory_space<vmem>>) semaphore(%arg19 : memref<!tpu.dma_semaphore, #tpu.memory_space<semaphore_mem>>)
    %dma_start3A_38 = arith.constant 0 : i32
    %dma_start3A_39 = arith.constant 0 : i32
    %dma_start3A_40 = tpu.memref_slice %arg17[%dma_start3A_38, %dma_start3A_39] : memref<2x128xi32, #tpu.memory_space<vmem>> -> memref<1x128xi32, #tpu.memory_space<vmem>>
    %dma_start3A_41 = tpu.memref_squeeze %dma_start3A_40 : memref<1x128xi32, #tpu.memory_space<vmem>> -> memref<128xi32, #tpu.memory_space<vmem>>
    %dma_start3A_42 = arith.constant 0 : i32
    %dma_start3A_43 = arith.constant 0 : i32
    %dma_start3A_44 = tpu.memref_slice %arg3[%dma_start3A_42, %dma_start3A_43] : memref<100000x128xf32, #tpu.memory_space<hbm>> -> memref<100000x128xf32, #tpu.memory_space<hbm>>
    tpu.enqueue_indirect_dma source(%dma_start3A_44 : memref<100000x128xf32, #tpu.memory_space<hbm>>) target(%arg11 : memref<128x128xf32, #tpu.memory_space<vmem>>) offsets(%dma_start3A_41 : memref<128xi32, #tpu.memory_space<vmem>>) semaphore(%arg20 : memref<!tpu.dma_semaphore, #tpu.memory_space<semaphore_mem>>)
    %dma_start3A_45 = arith.constant 0 : i32
    %dma_start3A_46 = arith.constant 0 : i32
    %dma_start3A_47 = tpu.memref_slice %arg18[%dma_start3A_45, %dma_start3A_46] : memref<2x128xi32, #tpu.memory_space<vmem>> -> memref<1x128xi32, #tpu.memory_space<vmem>>
    %dma_start3A_48 = tpu.memref_squeeze %dma_start3A_47 : memref<1x128xi32, #tpu.memory_space<vmem>> -> memref<128xi32, #tpu.memory_space<vmem>>
    %dma_start3A_49 = arith.constant 0 : i32
    %dma_start3A_50 = arith.constant 0 : i32
    %dma_start3A_51 = tpu.memref_slice %arg2[%dma_start3A_49, %dma_start3A_50] : memref<100000x128xf32, #tpu.memory_space<hbm>> -> memref<100000x128xf32, #tpu.memory_space<hbm>>
    tpu.enqueue_indirect_dma source(%dma_start3A_51 : memref<100000x128xf32, #tpu.memory_space<hbm>>) target(%arg12 : memref<128x128xf32, #tpu.memory_space<vmem>>) offsets(%dma_start3A_48 : memref<128xi32, #tpu.memory_space<vmem>>) semaphore(%arg21 : memref<!tpu.dma_semaphore, #tpu.memory_space<semaphore_mem>>)
    %dma_start3A_52 = arith.constant 0 : i32
    %dma_start3A_53 = arith.constant 0 : i32
    %dma_start3A_54 = tpu.memref_slice %arg18[%dma_start3A_52, %dma_start3A_53] : memref<2x128xi32, #tpu.memory_space<vmem>> -> memref<1x128xi32, #tpu.memory_space<vmem>>
    %dma_start3A_55 = tpu.memref_squeeze %dma_start3A_54 : memref<1x128xi32, #tpu.memory_space<vmem>> -> memref<128xi32, #tpu.memory_space<vmem>>
    %dma_start3A_56 = arith.constant 0 : i32
    %dma_start3A_57 = arith.constant 0 : i32
    %dma_start3A_58 = tpu.memref_slice %arg3[%dma_start3A_56, %dma_start3A_57] : memref<100000x128xf32, #tpu.memory_space<hbm>> -> memref<100000x128xf32, #tpu.memory_space<hbm>>
    tpu.enqueue_indirect_dma source(%dma_start3A_58 : memref<100000x128xf32, #tpu.memory_space<hbm>>) target(%arg13 : memref<128x128xf32, #tpu.memory_space<vmem>>) offsets(%dma_start3A_55 : memref<128xi32, #tpu.memory_space<vmem>>) semaphore(%arg22 : memref<!tpu.dma_semaphore, #tpu.memory_space<semaphore_mem>>)
    %dma_start3A_59 = arith.constant 1 : i32
    %dma_start3A_60 = arith.constant 0 : i32
    %dma_start3A_61 = tpu.memref_slice %arg17[%dma_start3A_59, %dma_start3A_60] : memref<2x128xi32, #tpu.memory_space<vmem>> -> memref<1x128xi32, #tpu.memory_space<vmem>>
    %dma_start3A_62 = tpu.memref_squeeze %dma_start3A_61 : memref<1x128xi32, #tpu.memory_space<vmem>> -> memref<128xi32, #tpu.memory_space<vmem>>
    %dma_start3A_63 = arith.constant 0 : i32
    %dma_start3A_64 = arith.constant 0 : i32
    %dma_start3A_65 = tpu.memref_slice %arg2[%dma_start3A_63, %dma_start3A_64] : memref<100000x128xf32, #tpu.memory_space<hbm>> -> memref<100000x128xf32, #tpu.memory_space<hbm>>
    tpu.enqueue_indirect_dma source(%dma_start3A_65 : memref<100000x128xf32, #tpu.memory_space<hbm>>) target(%arg14 : memref<128x128xf32, #tpu.memory_space<vmem>>) offsets(%dma_start3A_62 : memref<128xi32, #tpu.memory_space<vmem>>) semaphore(%arg23 : memref<!tpu.dma_semaphore, #tpu.memory_space<semaphore_mem>>)
    %dma_wait3A_66 = arith.constant 0 : i32
    %dma_wait3A_67 = arith.constant 0 : i32
    %dma_wait3A_68 = tpu.memref_slice %arg17[%dma_wait3A_66, %dma_wait3A_67] : memref<2x128xi32, #tpu.memory_space<vmem>> -> memref<1x128xi32, #tpu.memory_space<vmem>>
    %dma_wait3A_69 = tpu.memref_squeeze %dma_wait3A_68 : memref<1x128xi32, #tpu.memory_space<vmem>> -> memref<128xi32, #tpu.memory_space<vmem>>
    %dma_wait3A_70 = arith.constant 0 : i32
    %dma_wait3A_71 = arith.constant 0 : i32
    %dma_wait3A_72 = tpu.memref_slice %arg2[%dma_wait3A_70, %dma_wait3A_71] : memref<100000x128xf32, #tpu.memory_space<hbm>> -> memref<100000x128xf32, #tpu.memory_space<hbm>>
    tpu.wait_indirect_dma semaphore(%arg19 : memref<!tpu.dma_semaphore, #tpu.memory_space<semaphore_mem>>) src(%dma_wait3A_72 : memref<100000x128xf32, #tpu.memory_space<hbm>>) dst(%arg10 : memref<128x128xf32, #tpu.memory_space<vmem>>)
    %dma_start3A_73 = arith.constant 0 : i32
    %dma_start3A_74 = tpu.memref_slice %arg6[%add3A_28, %dma_start3A_73] : memref<8192x128xf32, #tpu.memory_space<hbm>> -> memref<128x128xf32, #tpu.memory_space<hbm>>
    %dma_start3A_75 = arith.constant 0 : i32
    %dma_start3A_76 = tpu.memref_slice %arg6[%add3A_28, %dma_start3A_75] : memref<8192x128xf32, #tpu.memory_space<hbm>> -> memref<128x128xf32, #tpu.memory_space<hbm>>
    tpu.enqueue_dma source(%arg10 : memref<128x128xf32, #tpu.memory_space<vmem>>) target(%dma_start3A_76 : memref<128x128xf32, #tpu.memory_space<hbm>>) target_semaphore(%arg26 : memref<!tpu.dma_semaphore, #tpu.memory_space<semaphore_mem>>)
    %dma_start3A_77 = arith.constant 1 : i32
    %dma_start3A_78 = arith.constant 0 : i32
    %dma_start3A_79 = tpu.memref_slice %arg17[%dma_start3A_77, %dma_start3A_78] : memref<2x128xi32, #tpu.memory_space<vmem>> -> memref<1x128xi32, #tpu.memory_space<vmem>>
    %dma_start3A_80 = tpu.memref_squeeze %dma_start3A_79 : memref<1x128xi32, #tpu.memory_space<vmem>> -> memref<128xi32, #tpu.memory_space<vmem>>
    %dma_start3A_81 = arith.constant 0 : i32
    %dma_start3A_82 = arith.constant 0 : i32
    %dma_start3A_83 = tpu.memref_slice %arg3[%dma_start3A_81, %dma_start3A_82] : memref<100000x128xf32, #tpu.memory_space<hbm>> -> memref<100000x128xf32, #tpu.memory_space<hbm>>
    tpu.enqueue_indirect_dma source(%dma_start3A_83 : memref<100000x128xf32, #tpu.memory_space<hbm>>) target(%arg15 : memref<128x128xf32, #tpu.memory_space<vmem>>) offsets(%dma_start3A_80 : memref<128xi32, #tpu.memory_space<vmem>>) semaphore(%arg24 : memref<!tpu.dma_semaphore, #tpu.memory_space<semaphore_mem>>)
    %dma_wait3A_84 = arith.constant 0 : i32
    %dma_wait3A_85 = arith.constant 0 : i32
    %dma_wait3A_86 = tpu.memref_slice %arg17[%dma_wait3A_84, %dma_wait3A_85] : memref<2x128xi32, #tpu.memory_space<vmem>> -> memref<1x128xi32, #tpu.memory_space<vmem>>
    %dma_wait3A_87 = tpu.memref_squeeze %dma_wait3A_86 : memref<1x128xi32, #tpu.memory_space<vmem>> -> memref<128xi32, #tpu.memory_space<vmem>>
    %dma_wait3A_88 = arith.constant 0 : i32
    %dma_wait3A_89 = arith.constant 0 : i32
    %dma_wait3A_90 = tpu.memref_slice %arg3[%dma_wait3A_88, %dma_wait3A_89] : memref<100000x128xf32, #tpu.memory_space<hbm>> -> memref<100000x128xf32, #tpu.memory_space<hbm>>
    tpu.wait_indirect_dma semaphore(%arg20 : memref<!tpu.dma_semaphore, #tpu.memory_space<semaphore_mem>>) src(%dma_wait3A_90 : memref<100000x128xf32, #tpu.memory_space<hbm>>) dst(%arg11 : memref<128x128xf32, #tpu.memory_space<vmem>>)
    %dma_start3A_91 = arith.constant 0 : i32
    %dma_start3A_92 = tpu.memref_slice %arg7[%add3A_28, %dma_start3A_91] : memref<8192x128xf32, #tpu.memory_space<hbm>> -> memref<128x128xf32, #tpu.memory_space<hbm>>
    %dma_start3A_93 = arith.constant 0 : i32
    %dma_start3A_94 = tpu.memref_slice %arg7[%add3A_28, %dma_start3A_93] : memref<8192x128xf32, #tpu.memory_space<hbm>> -> memref<128x128xf32, #tpu.memory_space<hbm>>
    tpu.enqueue_dma source(%arg11 : memref<128x128xf32, #tpu.memory_space<vmem>>) target(%dma_start3A_94 : memref<128x128xf32, #tpu.memory_space<hbm>>) target_semaphore(%arg27 : memref<!tpu.dma_semaphore, #tpu.memory_space<semaphore_mem>>)
    %dma_start3A_95 = arith.constant 1 : i32
    %dma_start3A_96 = arith.constant 0 : i32
    %dma_start3A_97 = tpu.memref_slice %arg18[%dma_start3A_95, %dma_start3A_96] : memref<2x128xi32, #tpu.memory_space<vmem>> -> memref<1x128xi32, #tpu.memory_space<vmem>>
    %dma_start3A_98 = tpu.memref_squeeze %dma_start3A_97 : memref<1x128xi32, #tpu.memory_space<vmem>> -> memref<128xi32, #tpu.memory_space<vmem>>
    %dma_start3A_99 = arith.constant 0 : i32
    %dma_start3A_100 = arith.constant 0 : i32
    %dma_start3A_101 = tpu.memref_slice %arg2[%dma_start3A_99, %dma_start3A_100] : memref<100000x128xf32, #tpu.memory_space<hbm>> -> memref<100000x128xf32, #tpu.memory_space<hbm>>
    tpu.enqueue_indirect_dma source(%dma_start3A_101 : memref<100000x128xf32, #tpu.memory_space<hbm>>) target(%arg16 : memref<128x128xf32, #tpu.memory_space<vmem>>) offsets(%dma_start3A_98 : memref<128xi32, #tpu.memory_space<vmem>>) semaphore(%arg25 : memref<!tpu.dma_semaphore, #tpu.memory_space<semaphore_mem>>)
    %dma_wait3A_102 = arith.constant 0 : i32
    %dma_wait3A_103 = arith.constant 0 : i32
    %dma_wait3A_104 = tpu.memref_slice %arg18[%dma_wait3A_102, %dma_wait3A_103] : memref<2x128xi32, #tpu.memory_space<vmem>> -> memref<1x128xi32, #tpu.memory_space<vmem>>
    %dma_wait3A_105 = tpu.memref_squeeze %dma_wait3A_104 : memref<1x128xi32, #tpu.memory_space<vmem>> -> memref<128xi32, #tpu.memory_space<vmem>>
    %dma_wait3A_106 = arith.constant 0 : i32
    %dma_wait3A_107 = arith.constant 0 : i32
    %dma_wait3A_108 = tpu.memref_slice %arg2[%dma_wait3A_106, %dma_wait3A_107] : memref<100000x128xf32, #tpu.memory_space<hbm>> -> memref<100000x128xf32, #tpu.memory_space<hbm>>
    tpu.wait_indirect_dma semaphore(%arg21 : memref<!tpu.dma_semaphore, #tpu.memory_space<semaphore_mem>>) src(%dma_wait3A_108 : memref<100000x128xf32, #tpu.memory_space<hbm>>) dst(%arg12 : memref<128x128xf32, #tpu.memory_space<vmem>>)
    %dma_start3A_109 = arith.constant 0 : i32
    %dma_start3A_110 = tpu.memref_slice %arg8[%add3A_28, %dma_start3A_109] : memref<8192x128xf32, #tpu.memory_space<hbm>> -> memref<128x128xf32, #tpu.memory_space<hbm>>
    %dma_start3A_111 = arith.constant 0 : i32
    %dma_start3A_112 = tpu.memref_slice %arg8[%add3A_28, %dma_start3A_111] : memref<8192x128xf32, #tpu.memory_space<hbm>> -> memref<128x128xf32, #tpu.memory_space<hbm>>
    tpu.enqueue_dma source(%arg12 : memref<128x128xf32, #tpu.memory_space<vmem>>) target(%dma_start3A_112 : memref<128x128xf32, #tpu.memory_space<hbm>>) target_semaphore(%arg28 : memref<!tpu.dma_semaphore, #tpu.memory_space<semaphore_mem>>)
    %dma_wait3A_113 = arith.constant 0 : i32
    %dma_wait3A_114 = tpu.memref_slice %arg6[%add3A_28, %dma_wait3A_113] : memref<8192x128xf32, #tpu.memory_space<hbm>> -> memref<128x128xf32, #tpu.memory_space<hbm>>
    %dma_wait3A_115 = arith.constant 0 : i32
    %dma_wait3A_116 = tpu.memref_slice %arg6[%add3A_28, %dma_wait3A_115] : memref<8192x128xf32, #tpu.memory_space<hbm>> -> memref<128x128xf32, #tpu.memory_space<hbm>>
    tpu.wait_dma2 semaphore(%arg26 : memref<!tpu.dma_semaphore, #tpu.memory_space<semaphore_mem>>) src(%arg10 : memref<128x128xf32, #tpu.memory_space<vmem>>) dst(%dma_wait3A_116 : memref<128x128xf32, #tpu.memory_space<hbm>>)
    %dma_start3A_117 = arith.constant 1 : i32
    %dma_start3A_118 = arith.constant 0 : i32
    %dma_start3A_119 = tpu.memref_slice %arg18[%dma_start3A_117, %dma_start3A_118] : memref<2x128xi32, #tpu.memory_space<vmem>> -> memref<1x128xi32, #tpu.memory_space<vmem>>
    %dma_start3A_120 = tpu.memref_squeeze %dma_start3A_119 : memref<1x128xi32, #tpu.memory_space<vmem>> -> memref<128xi32, #tpu.memory_space<vmem>>
    %dma_start3A_121 = arith.constant 0 : i32
    %dma_start3A_122 = arith.constant 0 : i32
    %dma_start3A_123 = tpu.memref_slice %arg3[%dma_start3A_121, %dma_start3A_122] : memref<100000x128xf32, #tpu.memory_space<hbm>> -> memref<100000x128xf32, #tpu.memory_space<hbm>>
    tpu.enqueue_indirect_dma source(%dma_start3A_123 : memref<100000x128xf32, #tpu.memory_space<hbm>>) target(%arg10 : memref<128x128xf32, #tpu.memory_space<vmem>>) offsets(%dma_start3A_120 : memref<128xi32, #tpu.memory_space<vmem>>) semaphore(%arg19 : memref<!tpu.dma_semaphore, #tpu.memory_space<semaphore_mem>>)
    %dma_wait3A_124 = arith.constant 0 : i32
    %dma_wait3A_125 = arith.constant 0 : i32
    %dma_wait3A_126 = tpu.memref_slice %arg18[%dma_wait3A_124, %dma_wait3A_125] : memref<2x128xi32, #tpu.memory_space<vmem>> -> memref<1x128xi32, #tpu.memory_space<vmem>>
    %dma_wait3A_127 = tpu.memref_squeeze %dma_wait3A_126 : memref<1x128xi32, #tpu.memory_space<vmem>> -> memref<128xi32, #tpu.memory_space<vmem>>
    %dma_wait3A_128 = arith.constant 0 : i32
    %dma_wait3A_129 = arith.constant 0 : i32
    %dma_wait3A_130 = tpu.memref_slice %arg3[%dma_wait3A_128, %dma_wait3A_129] : memref<100000x128xf32, #tpu.memory_space<hbm>> -> memref<100000x128xf32, #tpu.memory_space<hbm>>
    tpu.wait_indirect_dma semaphore(%arg22 : memref<!tpu.dma_semaphore, #tpu.memory_space<semaphore_mem>>) src(%dma_wait3A_130 : memref<100000x128xf32, #tpu.memory_space<hbm>>) dst(%arg13 : memref<128x128xf32, #tpu.memory_space<vmem>>)
    %dma_start3A_131 = arith.constant 0 : i32
    %dma_start3A_132 = tpu.memref_slice %arg9[%add3A_28, %dma_start3A_131] : memref<8192x128xf32, #tpu.memory_space<hbm>> -> memref<128x128xf32, #tpu.memory_space<hbm>>
    %dma_start3A_133 = arith.constant 0 : i32
    %dma_start3A_134 = tpu.memref_slice %arg9[%add3A_28, %dma_start3A_133] : memref<8192x128xf32, #tpu.memory_space<hbm>> -> memref<128x128xf32, #tpu.memory_space<hbm>>
    tpu.enqueue_dma source(%arg13 : memref<128x128xf32, #tpu.memory_space<vmem>>) target(%dma_start3A_134 : memref<128x128xf32, #tpu.memory_space<hbm>>) target_semaphore(%arg29 : memref<!tpu.dma_semaphore, #tpu.memory_space<semaphore_mem>>)
    %dma_wait3A_135 = arith.constant 1 : i32
    %dma_wait3A_136 = arith.constant 0 : i32
    %dma_wait3A_137 = tpu.memref_slice %arg17[%dma_wait3A_135, %dma_wait3A_136] : memref<2x128xi32, #tpu.memory_space<vmem>> -> memref<1x128xi32, #tpu.memory_space<vmem>>
    %dma_wait3A_138 = tpu.memref_squeeze %dma_wait3A_137 : memref<1x128xi32, #tpu.memory_space<vmem>> -> memref<128xi32, #tpu.memory_space<vmem>>
    %dma_wait3A_139 = arith.constant 0 : i32
    %dma_wait3A_140 = arith.constant 0 : i32
    %dma_wait3A_141 = tpu.memref_slice %arg2[%dma_wait3A_139, %dma_wait3A_140] : memref<100000x128xf32, #tpu.memory_space<hbm>> -> memref<100000x128xf32, #tpu.memory_space<hbm>>
    tpu.wait_indirect_dma semaphore(%arg23 : memref<!tpu.dma_semaphore, #tpu.memory_space<semaphore_mem>>) src(%dma_wait3A_141 : memref<100000x128xf32, #tpu.memory_space<hbm>>) dst(%arg14 : memref<128x128xf32, #tpu.memory_space<vmem>>)
    %dma_start3A_142 = arith.constant 0 : i32
    %dma_start3A_143 = tpu.memref_slice %arg6[%add3A_30, %dma_start3A_142] : memref<8192x128xf32, #tpu.memory_space<hbm>> -> memref<128x128xf32, #tpu.memory_space<hbm>>
    %dma_start3A_144 = arith.constant 0 : i32
    %dma_start3A_145 = tpu.memref_slice %arg6[%add3A_30, %dma_start3A_144] : memref<8192x128xf32, #tpu.memory_space<hbm>> -> memref<128x128xf32, #tpu.memory_space<hbm>>
    tpu.enqueue_dma source(%arg14 : memref<128x128xf32, #tpu.memory_space<vmem>>) target(%dma_start3A_145 : memref<128x128xf32, #tpu.memory_space<hbm>>) target_semaphore(%arg30 : memref<!tpu.dma_semaphore, #tpu.memory_space<semaphore_mem>>)
    %dma_wait3A_146 = arith.constant 1 : i32
    %dma_wait3A_147 = arith.constant 0 : i32
    %dma_wait3A_148 = tpu.memref_slice %arg17[%dma_wait3A_146, %dma_wait3A_147] : memref<2x128xi32, #tpu.memory_space<vmem>> -> memref<1x128xi32, #tpu.memory_space<vmem>>
    %dma_wait3A_149 = tpu.memref_squeeze %dma_wait3A_148 : memref<1x128xi32, #tpu.memory_space<vmem>> -> memref<128xi32, #tpu.memory_space<vmem>>
    %dma_wait3A_150 = arith.constant 0 : i32
    %dma_wait3A_151 = arith.constant 0 : i32
    %dma_wait3A_152 = tpu.memref_slice %arg3[%dma_wait3A_150, %dma_wait3A_151] : memref<100000x128xf32, #tpu.memory_space<hbm>> -> memref<100000x128xf32, #tpu.memory_space<hbm>>
    tpu.wait_indirect_dma semaphore(%arg24 : memref<!tpu.dma_semaphore, #tpu.memory_space<semaphore_mem>>) src(%dma_wait3A_152 : memref<100000x128xf32, #tpu.memory_space<hbm>>) dst(%arg15 : memref<128x128xf32, #tpu.memory_space<vmem>>)
    %dma_start3A_153 = arith.constant 0 : i32
    %dma_start3A_154 = tpu.memref_slice %arg7[%add3A_30, %dma_start3A_153] : memref<8192x128xf32, #tpu.memory_space<hbm>> -> memref<128x128xf32, #tpu.memory_space<hbm>>
    %dma_start3A_155 = arith.constant 0 : i32
    %dma_start3A_156 = tpu.memref_slice %arg7[%add3A_30, %dma_start3A_155] : memref<8192x128xf32, #tpu.memory_space<hbm>> -> memref<128x128xf32, #tpu.memory_space<hbm>>
    tpu.enqueue_dma source(%arg15 : memref<128x128xf32, #tpu.memory_space<vmem>>) target(%dma_start3A_156 : memref<128x128xf32, #tpu.memory_space<hbm>>) target_semaphore(%arg31 : memref<!tpu.dma_semaphore, #tpu.memory_space<semaphore_mem>>)
    %dma_wait3A_157 = arith.constant 1 : i32
    %dma_wait3A_158 = arith.constant 0 : i32
    %dma_wait3A_159 = tpu.memref_slice %arg18[%dma_wait3A_157, %dma_wait3A_158] : memref<2x128xi32, #tpu.memory_space<vmem>> -> memref<1x128xi32, #tpu.memory_space<vmem>>
    %dma_wait3A_160 = tpu.memref_squeeze %dma_wait3A_159 : memref<1x128xi32, #tpu.memory_space<vmem>> -> memref<128xi32, #tpu.memory_space<vmem>>
    %dma_wait3A_161 = arith.constant 0 : i32
    %dma_wait3A_162 = arith.constant 0 : i32
    %dma_wait3A_163 = tpu.memref_slice %arg2[%dma_wait3A_161, %dma_wait3A_162] : memref<100000x128xf32, #tpu.memory_space<hbm>> -> memref<100000x128xf32, #tpu.memory_space<hbm>>
    tpu.wait_indirect_dma semaphore(%arg25 : memref<!tpu.dma_semaphore, #tpu.memory_space<semaphore_mem>>) src(%dma_wait3A_163 : memref<100000x128xf32, #tpu.memory_space<hbm>>) dst(%arg16 : memref<128x128xf32, #tpu.memory_space<vmem>>)
    %dma_start3A_164 = arith.constant 0 : i32
    %dma_start3A_165 = tpu.memref_slice %arg8[%add3A_30, %dma_start3A_164] : memref<8192x128xf32, #tpu.memory_space<hbm>> -> memref<128x128xf32, #tpu.memory_space<hbm>>
    %dma_start3A_166 = arith.constant 0 : i32
    %dma_start3A_167 = tpu.memref_slice %arg8[%add3A_30, %dma_start3A_166] : memref<8192x128xf32, #tpu.memory_space<hbm>> -> memref<128x128xf32, #tpu.memory_space<hbm>>
    tpu.enqueue_dma source(%arg16 : memref<128x128xf32, #tpu.memory_space<vmem>>) target(%dma_start3A_167 : memref<128x128xf32, #tpu.memory_space<hbm>>) target_semaphore(%arg32 : memref<!tpu.dma_semaphore, #tpu.memory_space<semaphore_mem>>)
    %dma_wait3A_168 = arith.constant 1 : i32
    %dma_wait3A_169 = arith.constant 0 : i32
    %dma_wait3A_170 = tpu.memref_slice %arg18[%dma_wait3A_168, %dma_wait3A_169] : memref<2x128xi32, #tpu.memory_space<vmem>> -> memref<1x128xi32, #tpu.memory_space<vmem>>
    %dma_wait3A_171 = tpu.memref_squeeze %dma_wait3A_170 : memref<1x128xi32, #tpu.memory_space<vmem>> -> memref<128xi32, #tpu.memory_space<vmem>>
    %dma_wait3A_172 = arith.constant 0 : i32
    %dma_wait3A_173 = arith.constant 0 : i32
    %dma_wait3A_174 = tpu.memref_slice %arg3[%dma_wait3A_172, %dma_wait3A_173] : memref<100000x128xf32, #tpu.memory_space<hbm>> -> memref<100000x128xf32, #tpu.memory_space<hbm>>
    tpu.wait_indirect_dma semaphore(%arg19 : memref<!tpu.dma_semaphore, #tpu.memory_space<semaphore_mem>>) src(%dma_wait3A_174 : memref<100000x128xf32, #tpu.memory_space<hbm>>) dst(%arg10 : memref<128x128xf32, #tpu.memory_space<vmem>>)
    %dma_start3A_175 = arith.constant 0 : i32
    %dma_start3A_176 = tpu.memref_slice %arg9[%add3A_30, %dma_start3A_175] : memref<8192x128xf32, #tpu.memory_space<hbm>> -> memref<128x128xf32, #tpu.memory_space<hbm>>
    %dma_start3A_177 = arith.constant 0 : i32
    %dma_start3A_178 = tpu.memref_slice %arg9[%add3A_30, %dma_start3A_177] : memref<8192x128xf32, #tpu.memory_space<hbm>> -> memref<128x128xf32, #tpu.memory_space<hbm>>
    tpu.enqueue_dma source(%arg10 : memref<128x128xf32, #tpu.memory_space<vmem>>) target(%dma_start3A_178 : memref<128x128xf32, #tpu.memory_space<hbm>>) target_semaphore(%arg26 : memref<!tpu.dma_semaphore, #tpu.memory_space<semaphore_mem>>)
    %dma_wait3A_179 = arith.constant 0 : i32
    %dma_wait3A_180 = tpu.memref_slice %arg7[%add3A_28, %dma_wait3A_179] : memref<8192x128xf32, #tpu.memory_space<hbm>> -> memref<128x128xf32, #tpu.memory_space<hbm>>
    %dma_wait3A_181 = arith.constant 0 : i32
    %dma_wait3A_182 = tpu.memref_slice %arg7[%add3A_28, %dma_wait3A_181] : memref<8192x128xf32, #tpu.memory_space<hbm>> -> memref<128x128xf32, #tpu.memory_space<hbm>>
    tpu.wait_dma2 semaphore(%arg27 : memref<!tpu.dma_semaphore, #tpu.memory_space<semaphore_mem>>) src(%arg11 : memref<128x128xf32, #tpu.memory_space<vmem>>) dst(%dma_wait3A_182 : memref<128x128xf32, #tpu.memory_space<hbm>>)
    %dma_wait3A_183 = arith.constant 0 : i32
    %dma_wait3A_184 = tpu.memref_slice %arg8[%add3A_28, %dma_wait3A_183] : memref<8192x128xf32, #tpu.memory_space<hbm>> -> memref<128x128xf32, #tpu.memory_space<hbm>>
    %dma_wait3A_185 = arith.constant 0 : i32
    %dma_wait3A_186 = tpu.memref_slice %arg8[%add3A_28, %dma_wait3A_185] : memref<8192x128xf32, #tpu.memory_space<hbm>> -> memref<128x128xf32, #tpu.memory_space<hbm>>
    tpu.wait_dma2 semaphore(%arg28 : memref<!tpu.dma_semaphore, #tpu.memory_space<semaphore_mem>>) src(%arg12 : memref<128x128xf32, #tpu.memory_space<vmem>>) dst(%dma_wait3A_186 : memref<128x128xf32, #tpu.memory_space<hbm>>)
    %dma_wait3A_187 = arith.constant 0 : i32
    %dma_wait3A_188 = tpu.memref_slice %arg9[%add3A_28, %dma_wait3A_187] : memref<8192x128xf32, #tpu.memory_space<hbm>> -> memref<128x128xf32, #tpu.memory_space<hbm>>
    %dma_wait3A_189 = arith.constant 0 : i32
    %dma_wait3A_190 = tpu.memref_slice %arg9[%add3A_28, %dma_wait3A_189] : memref<8192x128xf32, #tpu.memory_space<hbm>> -> memref<128x128xf32, #tpu.memory_space<hbm>>
    tpu.wait_dma2 semaphore(%arg29 : memref<!tpu.dma_semaphore, #tpu.memory_space<semaphore_mem>>) src(%arg13 : memref<128x128xf32, #tpu.memory_space<vmem>>) dst(%dma_wait3A_190 : memref<128x128xf32, #tpu.memory_space<hbm>>)
    %dma_wait3A_191 = arith.constant 0 : i32
    %dma_wait3A_192 = tpu.memref_slice %arg6[%add3A_30, %dma_wait3A_191] : memref<8192x128xf32, #tpu.memory_space<hbm>> -> memref<128x128xf32, #tpu.memory_space<hbm>>
    %dma_wait3A_193 = arith.constant 0 : i32
    %dma_wait3A_194 = tpu.memref_slice %arg6[%add3A_30, %dma_wait3A_193] : memref<8192x128xf32, #tpu.memory_space<hbm>> -> memref<128x128xf32, #tpu.memory_space<hbm>>
    tpu.wait_dma2 semaphore(%arg30 : memref<!tpu.dma_semaphore, #tpu.memory_space<semaphore_mem>>) src(%arg14 : memref<128x128xf32, #tpu.memory_space<vmem>>) dst(%dma_wait3A_194 : memref<128x128xf32, #tpu.memory_space<hbm>>)
    %dma_wait3A_195 = arith.constant 0 : i32
    %dma_wait3A_196 = tpu.memref_slice %arg7[%add3A_30, %dma_wait3A_195] : memref<8192x128xf32, #tpu.memory_space<hbm>> -> memref<128x128xf32, #tpu.memory_space<hbm>>
    %dma_wait3A_197 = arith.constant 0 : i32
    %dma_wait3A_198 = tpu.memref_slice %arg7[%add3A_30, %dma_wait3A_197] : memref<8192x128xf32, #tpu.memory_space<hbm>> -> memref<128x128xf32, #tpu.memory_space<hbm>>
    tpu.wait_dma2 semaphore(%arg31 : memref<!tpu.dma_semaphore, #tpu.memory_space<semaphore_mem>>) src(%arg15 : memref<128x128xf32, #tpu.memory_space<vmem>>) dst(%dma_wait3A_198 : memref<128x128xf32, #tpu.memory_space<hbm>>)
    %dma_wait3A_199 = arith.constant 0 : i32
    %dma_wait3A_200 = tpu.memref_slice %arg8[%add3A_30, %dma_wait3A_199] : memref<8192x128xf32, #tpu.memory_space<hbm>> -> memref<128x128xf32, #tpu.memory_space<hbm>>
    %dma_wait3A_201 = arith.constant 0 : i32
    %dma_wait3A_202 = tpu.memref_slice %arg8[%add3A_30, %dma_wait3A_201] : memref<8192x128xf32, #tpu.memory_space<hbm>> -> memref<128x128xf32, #tpu.memory_space<hbm>>
    tpu.wait_dma2 semaphore(%arg32 : memref<!tpu.dma_semaphore, #tpu.memory_space<semaphore_mem>>) src(%arg16 : memref<128x128xf32, #tpu.memory_space<vmem>>) dst(%dma_wait3A_202 : memref<128x128xf32, #tpu.memory_space<hbm>>)
    %dma_wait3A_203 = arith.constant 0 : i32
    %dma_wait3A_204 = tpu.memref_slice %arg9[%add3A_30, %dma_wait3A_203] : memref<8192x128xf32, #tpu.memory_space<hbm>> -> memref<128x128xf32, #tpu.memory_space<hbm>>
    %dma_wait3A_205 = arith.constant 0 : i32
    %dma_wait3A_206 = tpu.memref_slice %arg9[%add3A_30, %dma_wait3A_205] : memref<8192x128xf32, #tpu.memory_space<hbm>> -> memref<128x128xf32, #tpu.memory_space<hbm>>
    tpu.wait_dma2 semaphore(%arg26 : memref<!tpu.dma_semaphore, #tpu.memory_space<semaphore_mem>>) src(%arg10 : memref<128x128xf32, #tpu.memory_space<vmem>>) dst(%dma_wait3A_206 : memref<128x128xf32, #tpu.memory_space<hbm>>)
    return
  }
}

#map = affine_map<(d0, d1) -> (0, 0)>
module attributes {stable_mosaic.version = 14 : i64} {
  func.func @_sc_gather_body(%arg0: i32, %arg1: i32, %arg2: memref<100000x128xf32, #tpu.memory_space<hbm>>, %arg3: memref<100000x128xf32, #tpu.memory_space<hbm>>, %arg4: memref<128x128xi32, #tpu.memory_space<hbm>>, %arg5: memref<128x128xi32, #tpu.memory_space<hbm>>, %arg6: memref<8192x128xf32, #tpu.memory_space<hbm>>, %arg7: memref<8192x128xf32, #tpu.memory_space<hbm>>, %arg8: memref<8192x128xf32, #tpu.memory_space<hbm>>, %arg9: memref<8192x128xf32, #tpu.memory_space<hbm>>, %arg10: memref<128x128xf32, #tpu.memory_space<vmem>>, %arg11: memref<128x128xf32, #tpu.memory_space<vmem>>, %arg12: memref<128x128xf32, #tpu.memory_space<vmem>>, %arg13: memref<128x128xf32, #tpu.memory_space<vmem>>, %arg14: memref<128x128xf32, #tpu.memory_space<vmem>>, %arg15: memref<128x128xf32, #tpu.memory_space<vmem>>, %arg16: memref<128x128xf32, #tpu.memory_space<vmem>>, %arg17: memref<2x128xi32, #tpu.memory_space<vmem>>, %arg18: memref<2x128xi32, #tpu.memory_space<vmem>>, %arg19: memref<!tpu.dma_semaphore, #tpu.memory_space<semaphore_mem>>, %arg20: memref<!tpu.dma_semaphore, #tpu.memory_space<semaphore_mem>>, %arg21: memref<!tpu.dma_semaphore, #tpu.memory_space<semaphore_mem>>, %arg22: memref<!tpu.dma_semaphore, #tpu.memory_space<semaphore_mem>>, %arg23: memref<!tpu.dma_semaphore, #tpu.memory_space<semaphore_mem>>, %arg24: memref<!tpu.dma_semaphore, #tpu.memory_space<semaphore_mem>>, %arg25: memref<!tpu.dma_semaphore, #tpu.memory_space<semaphore_mem>>, %arg26: memref<!tpu.dma_semaphore, #tpu.memory_space<semaphore_mem>>, %arg27: memref<!tpu.dma_semaphore, #tpu.memory_space<semaphore_mem>>, %arg28: memref<!tpu.dma_semaphore, #tpu.memory_space<semaphore_mem>>, %arg29: memref<!tpu.dma_semaphore, #tpu.memory_space<semaphore_mem>>, %arg30: memref<!tpu.dma_semaphore, #tpu.memory_space<semaphore_mem>>, %arg31: memref<!tpu.dma_semaphore, #tpu.memory_space<semaphore_mem>>, %arg32: memref<!tpu.dma_semaphore, #tpu.memory_space<semaphore_mem>>, %arg33: memref<!tpu.dma_semaphore, #tpu.memory_space<semaphore_mem>>) attributes {dimension_semantics = [#tpu.dimension_semantics<core_parallel>, #tpu.dimension_semantics<subcore_parallel>], iteration_bounds = array<i64: 2, 16>, scalar_prefetch = 0 : i64, scratch_operands = 24 : i64, tpu.core_type = #tpu.core_type<sc_vector_subcore>, window_params = [{transform_indices = #map}, {transform_indices = #map}, {transform_indices = #map}, {transform_indices = #map}, {transform_indices = #map}, {transform_indices = #map}, {transform_indices = #map}, {transform_indices = #map}]} {
    %mul3A = arith.constant 2 : i32
    %mul3A_0 = arith.muli %arg1, %mul3A : i32
    %add3A = arith.addi %mul3A_0, %arg0 : i32
    %mul3A_1 = arith.constant 2 : i32
    %mul3A_2 = arith.muli %add3A, %mul3A_1 : i32
    %mul3A_3 = arith.constant 128 : i32
    %mul3A_4 = arith.muli %mul3A_2, %mul3A_3 : i32
    %mul3A_5 = arith.constant 2 : i32
    %mul3A_6 = arith.muli %add3A, %mul3A_5 : i32
    %add3A_7 = arith.constant 64 : i32
    %add3A_8 = arith.addi %add3A_7, %mul3A_6 : i32
    %dma_start3A = arith.constant 0 : i32
    %dma_start3A_9 = tpu.memref_slice %arg4[%add3A_8, %dma_start3A] : memref<128x128xi32, #tpu.memory_space<hbm>> -> memref<2x128xi32, #tpu.memory_space<hbm>>
    %dma_start3A_10 = arith.constant 0 : i32
    %dma_start3A_11 = tpu.memref_slice %arg4[%add3A_8, %dma_start3A_10] : memref<128x128xi32, #tpu.memory_space<hbm>> -> memref<2x128xi32, #tpu.memory_space<hbm>>
    tpu.enqueue_dma source(%dma_start3A_11 : memref<2x128xi32, #tpu.memory_space<hbm>>) target(%arg17 : memref<2x128xi32, #tpu.memory_space<vmem>>) target_semaphore(%arg33 : memref<!tpu.dma_semaphore, #tpu.memory_space<semaphore_mem>>)
    %mul3A_12 = arith.constant 2 : i32
    %mul3A_13 = arith.muli %add3A, %mul3A_12 : i32
    %add3A_14 = arith.constant 64 : i32
    %add3A_15 = arith.addi %add3A_14, %mul3A_13 : i32
    %dma_start3A_16 = arith.constant 0 : i32
    %dma_start3A_17 = tpu.memref_slice %arg5[%add3A_15, %dma_start3A_16] : memref<128x128xi32, #tpu.memory_space<hbm>> -> memref<2x128xi32, #tpu.memory_space<hbm>>
    %dma_start3A_18 = arith.constant 0 : i32
    %dma_start3A_19 = tpu.memref_slice %arg5[%add3A_15, %dma_start3A_18] : memref<128x128xi32, #tpu.memory_space<hbm>> -> memref<2x128xi32, #tpu.memory_space<hbm>>
    tpu.enqueue_dma source(%dma_start3A_19 : memref<2x128xi32, #tpu.memory_space<hbm>>) target(%arg18 : memref<2x128xi32, #tpu.memory_space<vmem>>) target_semaphore(%arg33 : memref<!tpu.dma_semaphore, #tpu.memory_space<semaphore_mem>>)
    %dma_wait3A = arith.constant 0 : i32
    %dma_wait3A_20 = tpu.memref_slice %arg4[%add3A_8, %dma_wait3A] : memref<128x128xi32, #tpu.memory_space<hbm>> -> memref<2x128xi32, #tpu.memory_space<hbm>>
    %dma_wait3A_21 = arith.constant 0 : i32
    %dma_wait3A_22 = tpu.memref_slice %arg4[%add3A_8, %dma_wait3A_21] : memref<128x128xi32, #tpu.memory_space<hbm>> -> memref<2x128xi32, #tpu.memory_space<hbm>>
    tpu.wait_dma2 semaphore(%arg33 : memref<!tpu.dma_semaphore, #tpu.memory_space<semaphore_mem>>) src(%dma_wait3A_22 : memref<2x128xi32, #tpu.memory_space<hbm>>) dst(%arg17 : memref<2x128xi32, #tpu.memory_space<vmem>>)
    %dma_wait3A_23 = arith.constant 0 : i32
    %dma_wait3A_24 = tpu.memref_slice %arg5[%add3A_15, %dma_wait3A_23] : memref<128x128xi32, #tpu.memory_space<hbm>> -> memref<2x128xi32, #tpu.memory_space<hbm>>
    %dma_wait3A_25 = arith.constant 0 : i32
    %dma_wait3A_26 = tpu.memref_slice %arg5[%add3A_15, %dma_wait3A_25] : memref<128x128xi32, #tpu.memory_space<hbm>> -> memref<2x128xi32, #tpu.memory_space<hbm>>
    tpu.wait_dma2 semaphore(%arg33 : memref<!tpu.dma_semaphore, #tpu.memory_space<semaphore_mem>>) src(%dma_wait3A_26 : memref<2x128xi32, #tpu.memory_space<hbm>>) dst(%arg18 : memref<2x128xi32, #tpu.memory_space<vmem>>)
    %add3A_27 = arith.constant 0 : i32
    %add3A_28 = arith.addi %mul3A_4, %add3A_27 : i32
    %add3A_29 = arith.constant 128 : i32
    %add3A_30 = arith.addi %mul3A_4, %add3A_29 : i32
    %dma_start3A_31 = arith.constant 0 : i32
    %dma_start3A_32 = arith.constant 0 : i32
    %dma_start3A_33 = tpu.memref_slice %arg17[%dma_start3A_31, %dma_start3A_32] : memref<2x128xi32, #tpu.memory_space<vmem>> -> memref<1x128xi32, #tpu.memory_space<vmem>>
    %dma_start3A_34 = tpu.memref_squeeze %dma_start3A_33 : memref<1x128xi32, #tpu.memory_space<vmem>> -> memref<128xi32, #tpu.memory_space<vmem>>
    %dma_start3A_35 = arith.constant 0 : i32
    %dma_start3A_36 = arith.constant 0 : i32
    %dma_start3A_37 = tpu.memref_slice %arg2[%dma_start3A_35, %dma_start3A_36] : memref<100000x128xf32, #tpu.memory_space<hbm>> -> memref<100000x128xf32, #tpu.memory_space<hbm>>
    tpu.enqueue_indirect_dma source(%dma_start3A_37 : memref<100000x128xf32, #tpu.memory_space<hbm>>) target(%arg10 : memref<128x128xf32, #tpu.memory_space<vmem>>) offsets(%dma_start3A_34 : memref<128xi32, #tpu.memory_space<vmem>>) semaphore(%arg19 : memref<!tpu.dma_semaphore, #tpu.memory_space<semaphore_mem>>)
    %dma_start3A_38 = arith.constant 0 : i32
    %dma_start3A_39 = arith.constant 0 : i32
    %dma_start3A_40 = tpu.memref_slice %arg17[%dma_start3A_38, %dma_start3A_39] : memref<2x128xi32, #tpu.memory_space<vmem>> -> memref<1x128xi32, #tpu.memory_space<vmem>>
    %dma_start3A_41 = tpu.memref_squeeze %dma_start3A_40 : memref<1x128xi32, #tpu.memory_space<vmem>> -> memref<128xi32, #tpu.memory_space<vmem>>
    %dma_start3A_42 = arith.constant 0 : i32
    %dma_start3A_43 = arith.constant 0 : i32
    %dma_start3A_44 = tpu.memref_slice %arg3[%dma_start3A_42, %dma_start3A_43] : memref<100000x128xf32, #tpu.memory_space<hbm>> -> memref<100000x128xf32, #tpu.memory_space<hbm>>
    tpu.enqueue_indirect_dma source(%dma_start3A_44 : memref<100000x128xf32, #tpu.memory_space<hbm>>) target(%arg11 : memref<128x128xf32, #tpu.memory_space<vmem>>) offsets(%dma_start3A_41 : memref<128xi32, #tpu.memory_space<vmem>>) semaphore(%arg20 : memref<!tpu.dma_semaphore, #tpu.memory_space<semaphore_mem>>)
    %dma_start3A_45 = arith.constant 0 : i32
    %dma_start3A_46 = arith.constant 0 : i32
    %dma_start3A_47 = tpu.memref_slice %arg18[%dma_start3A_45, %dma_start3A_46] : memref<2x128xi32, #tpu.memory_space<vmem>> -> memref<1x128xi32, #tpu.memory_space<vmem>>
    %dma_start3A_48 = tpu.memref_squeeze %dma_start3A_47 : memref<1x128xi32, #tpu.memory_space<vmem>> -> memref<128xi32, #tpu.memory_space<vmem>>
    %dma_start3A_49 = arith.constant 0 : i32
    %dma_start3A_50 = arith.constant 0 : i32
    %dma_start3A_51 = tpu.memref_slice %arg2[%dma_start3A_49, %dma_start3A_50] : memref<100000x128xf32, #tpu.memory_space<hbm>> -> memref<100000x128xf32, #tpu.memory_space<hbm>>
    tpu.enqueue_indirect_dma source(%dma_start3A_51 : memref<100000x128xf32, #tpu.memory_space<hbm>>) target(%arg12 : memref<128x128xf32, #tpu.memory_space<vmem>>) offsets(%dma_start3A_48 : memref<128xi32, #tpu.memory_space<vmem>>) semaphore(%arg21 : memref<!tpu.dma_semaphore, #tpu.memory_space<semaphore_mem>>)
    %dma_start3A_52 = arith.constant 0 : i32
    %dma_start3A_53 = arith.constant 0 : i32
    %dma_start3A_54 = tpu.memref_slice %arg18[%dma_start3A_52, %dma_start3A_53] : memref<2x128xi32, #tpu.memory_space<vmem>> -> memref<1x128xi32, #tpu.memory_space<vmem>>
    %dma_start3A_55 = tpu.memref_squeeze %dma_start3A_54 : memref<1x128xi32, #tpu.memory_space<vmem>> -> memref<128xi32, #tpu.memory_space<vmem>>
    %dma_start3A_56 = arith.constant 0 : i32
    %dma_start3A_57 = arith.constant 0 : i32
    %dma_start3A_58 = tpu.memref_slice %arg3[%dma_start3A_56, %dma_start3A_57] : memref<100000x128xf32, #tpu.memory_space<hbm>> -> memref<100000x128xf32, #tpu.memory_space<hbm>>
    tpu.enqueue_indirect_dma source(%dma_start3A_58 : memref<100000x128xf32, #tpu.memory_space<hbm>>) target(%arg13 : memref<128x128xf32, #tpu.memory_space<vmem>>) offsets(%dma_start3A_55 : memref<128xi32, #tpu.memory_space<vmem>>) semaphore(%arg22 : memref<!tpu.dma_semaphore, #tpu.memory_space<semaphore_mem>>)
    %dma_start3A_59 = arith.constant 1 : i32
    %dma_start3A_60 = arith.constant 0 : i32
    %dma_start3A_61 = tpu.memref_slice %arg17[%dma_start3A_59, %dma_start3A_60] : memref<2x128xi32, #tpu.memory_space<vmem>> -> memref<1x128xi32, #tpu.memory_space<vmem>>
    %dma_start3A_62 = tpu.memref_squeeze %dma_start3A_61 : memref<1x128xi32, #tpu.memory_space<vmem>> -> memref<128xi32, #tpu.memory_space<vmem>>
    %dma_start3A_63 = arith.constant 0 : i32
    %dma_start3A_64 = arith.constant 0 : i32
    %dma_start3A_65 = tpu.memref_slice %arg2[%dma_start3A_63, %dma_start3A_64] : memref<100000x128xf32, #tpu.memory_space<hbm>> -> memref<100000x128xf32, #tpu.memory_space<hbm>>
    tpu.enqueue_indirect_dma source(%dma_start3A_65 : memref<100000x128xf32, #tpu.memory_space<hbm>>) target(%arg14 : memref<128x128xf32, #tpu.memory_space<vmem>>) offsets(%dma_start3A_62 : memref<128xi32, #tpu.memory_space<vmem>>) semaphore(%arg23 : memref<!tpu.dma_semaphore, #tpu.memory_space<semaphore_mem>>)
    %dma_wait3A_66 = arith.constant 0 : i32
    %dma_wait3A_67 = arith.constant 0 : i32
    %dma_wait3A_68 = tpu.memref_slice %arg17[%dma_wait3A_66, %dma_wait3A_67] : memref<2x128xi32, #tpu.memory_space<vmem>> -> memref<1x128xi32, #tpu.memory_space<vmem>>
    %dma_wait3A_69 = tpu.memref_squeeze %dma_wait3A_68 : memref<1x128xi32, #tpu.memory_space<vmem>> -> memref<128xi32, #tpu.memory_space<vmem>>
    %dma_wait3A_70 = arith.constant 0 : i32
    %dma_wait3A_71 = arith.constant 0 : i32
    %dma_wait3A_72 = tpu.memref_slice %arg2[%dma_wait3A_70, %dma_wait3A_71] : memref<100000x128xf32, #tpu.memory_space<hbm>> -> memref<100000x128xf32, #tpu.memory_space<hbm>>
    tpu.wait_indirect_dma semaphore(%arg19 : memref<!tpu.dma_semaphore, #tpu.memory_space<semaphore_mem>>) src(%dma_wait3A_72 : memref<100000x128xf32, #tpu.memory_space<hbm>>) dst(%arg10 : memref<128x128xf32, #tpu.memory_space<vmem>>)
    %dma_start3A_73 = arith.constant 0 : i32
    %dma_start3A_74 = tpu.memref_slice %arg6[%add3A_28, %dma_start3A_73] : memref<8192x128xf32, #tpu.memory_space<hbm>> -> memref<128x128xf32, #tpu.memory_space<hbm>>
    %dma_start3A_75 = arith.constant 0 : i32
    %dma_start3A_76 = tpu.memref_slice %arg6[%add3A_28, %dma_start3A_75] : memref<8192x128xf32, #tpu.memory_space<hbm>> -> memref<128x128xf32, #tpu.memory_space<hbm>>
    tpu.enqueue_dma source(%arg10 : memref<128x128xf32, #tpu.memory_space<vmem>>) target(%dma_start3A_76 : memref<128x128xf32, #tpu.memory_space<hbm>>) target_semaphore(%arg26 : memref<!tpu.dma_semaphore, #tpu.memory_space<semaphore_mem>>)
    %dma_start3A_77 = arith.constant 1 : i32
    %dma_start3A_78 = arith.constant 0 : i32
    %dma_start3A_79 = tpu.memref_slice %arg17[%dma_start3A_77, %dma_start3A_78] : memref<2x128xi32, #tpu.memory_space<vmem>> -> memref<1x128xi32, #tpu.memory_space<vmem>>
    %dma_start3A_80 = tpu.memref_squeeze %dma_start3A_79 : memref<1x128xi32, #tpu.memory_space<vmem>> -> memref<128xi32, #tpu.memory_space<vmem>>
    %dma_start3A_81 = arith.constant 0 : i32
    %dma_start3A_82 = arith.constant 0 : i32
    %dma_start3A_83 = tpu.memref_slice %arg3[%dma_start3A_81, %dma_start3A_82] : memref<100000x128xf32, #tpu.memory_space<hbm>> -> memref<100000x128xf32, #tpu.memory_space<hbm>>
    tpu.enqueue_indirect_dma source(%dma_start3A_83 : memref<100000x128xf32, #tpu.memory_space<hbm>>) target(%arg15 : memref<128x128xf32, #tpu.memory_space<vmem>>) offsets(%dma_start3A_80 : memref<128xi32, #tpu.memory_space<vmem>>) semaphore(%arg24 : memref<!tpu.dma_semaphore, #tpu.memory_space<semaphore_mem>>)
    %dma_wait3A_84 = arith.constant 0 : i32
    %dma_wait3A_85 = arith.constant 0 : i32
    %dma_wait3A_86 = tpu.memref_slice %arg17[%dma_wait3A_84, %dma_wait3A_85] : memref<2x128xi32, #tpu.memory_space<vmem>> -> memref<1x128xi32, #tpu.memory_space<vmem>>
    %dma_wait3A_87 = tpu.memref_squeeze %dma_wait3A_86 : memref<1x128xi32, #tpu.memory_space<vmem>> -> memref<128xi32, #tpu.memory_space<vmem>>
    %dma_wait3A_88 = arith.constant 0 : i32
    %dma_wait3A_89 = arith.constant 0 : i32
    %dma_wait3A_90 = tpu.memref_slice %arg3[%dma_wait3A_88, %dma_wait3A_89] : memref<100000x128xf32, #tpu.memory_space<hbm>> -> memref<100000x128xf32, #tpu.memory_space<hbm>>
    tpu.wait_indirect_dma semaphore(%arg20 : memref<!tpu.dma_semaphore, #tpu.memory_space<semaphore_mem>>) src(%dma_wait3A_90 : memref<100000x128xf32, #tpu.memory_space<hbm>>) dst(%arg11 : memref<128x128xf32, #tpu.memory_space<vmem>>)
    %dma_start3A_91 = arith.constant 0 : i32
    %dma_start3A_92 = tpu.memref_slice %arg7[%add3A_28, %dma_start3A_91] : memref<8192x128xf32, #tpu.memory_space<hbm>> -> memref<128x128xf32, #tpu.memory_space<hbm>>
    %dma_start3A_93 = arith.constant 0 : i32
    %dma_start3A_94 = tpu.memref_slice %arg7[%add3A_28, %dma_start3A_93] : memref<8192x128xf32, #tpu.memory_space<hbm>> -> memref<128x128xf32, #tpu.memory_space<hbm>>
    tpu.enqueue_dma source(%arg11 : memref<128x128xf32, #tpu.memory_space<vmem>>) target(%dma_start3A_94 : memref<128x128xf32, #tpu.memory_space<hbm>>) target_semaphore(%arg27 : memref<!tpu.dma_semaphore, #tpu.memory_space<semaphore_mem>>)
    %dma_start3A_95 = arith.constant 1 : i32
    %dma_start3A_96 = arith.constant 0 : i32
    %dma_start3A_97 = tpu.memref_slice %arg18[%dma_start3A_95, %dma_start3A_96] : memref<2x128xi32, #tpu.memory_space<vmem>> -> memref<1x128xi32, #tpu.memory_space<vmem>>
    %dma_start3A_98 = tpu.memref_squeeze %dma_start3A_97 : memref<1x128xi32, #tpu.memory_space<vmem>> -> memref<128xi32, #tpu.memory_space<vmem>>
    %dma_start3A_99 = arith.constant 0 : i32
    %dma_start3A_100 = arith.constant 0 : i32
    %dma_start3A_101 = tpu.memref_slice %arg2[%dma_start3A_99, %dma_start3A_100] : memref<100000x128xf32, #tpu.memory_space<hbm>> -> memref<100000x128xf32, #tpu.memory_space<hbm>>
    tpu.enqueue_indirect_dma source(%dma_start3A_101 : memref<100000x128xf32, #tpu.memory_space<hbm>>) target(%arg16 : memref<128x128xf32, #tpu.memory_space<vmem>>) offsets(%dma_start3A_98 : memref<128xi32, #tpu.memory_space<vmem>>) semaphore(%arg25 : memref<!tpu.dma_semaphore, #tpu.memory_space<semaphore_mem>>)
    %dma_wait3A_102 = arith.constant 0 : i32
    %dma_wait3A_103 = arith.constant 0 : i32
    %dma_wait3A_104 = tpu.memref_slice %arg18[%dma_wait3A_102, %dma_wait3A_103] : memref<2x128xi32, #tpu.memory_space<vmem>> -> memref<1x128xi32, #tpu.memory_space<vmem>>
    %dma_wait3A_105 = tpu.memref_squeeze %dma_wait3A_104 : memref<1x128xi32, #tpu.memory_space<vmem>> -> memref<128xi32, #tpu.memory_space<vmem>>
    %dma_wait3A_106 = arith.constant 0 : i32
    %dma_wait3A_107 = arith.constant 0 : i32
    %dma_wait3A_108 = tpu.memref_slice %arg2[%dma_wait3A_106, %dma_wait3A_107] : memref<100000x128xf32, #tpu.memory_space<hbm>> -> memref<100000x128xf32, #tpu.memory_space<hbm>>
    tpu.wait_indirect_dma semaphore(%arg21 : memref<!tpu.dma_semaphore, #tpu.memory_space<semaphore_mem>>) src(%dma_wait3A_108 : memref<100000x128xf32, #tpu.memory_space<hbm>>) dst(%arg12 : memref<128x128xf32, #tpu.memory_space<vmem>>)
    %dma_start3A_109 = arith.constant 0 : i32
    %dma_start3A_110 = tpu.memref_slice %arg8[%add3A_28, %dma_start3A_109] : memref<8192x128xf32, #tpu.memory_space<hbm>> -> memref<128x128xf32, #tpu.memory_space<hbm>>
    %dma_start3A_111 = arith.constant 0 : i32
    %dma_start3A_112 = tpu.memref_slice %arg8[%add3A_28, %dma_start3A_111] : memref<8192x128xf32, #tpu.memory_space<hbm>> -> memref<128x128xf32, #tpu.memory_space<hbm>>
    tpu.enqueue_dma source(%arg12 : memref<128x128xf32, #tpu.memory_space<vmem>>) target(%dma_start3A_112 : memref<128x128xf32, #tpu.memory_space<hbm>>) target_semaphore(%arg28 : memref<!tpu.dma_semaphore, #tpu.memory_space<semaphore_mem>>)
    %dma_wait3A_113 = arith.constant 0 : i32
    %dma_wait3A_114 = tpu.memref_slice %arg6[%add3A_28, %dma_wait3A_113] : memref<8192x128xf32, #tpu.memory_space<hbm>> -> memref<128x128xf32, #tpu.memory_space<hbm>>
    %dma_wait3A_115 = arith.constant 0 : i32
    %dma_wait3A_116 = tpu.memref_slice %arg6[%add3A_28, %dma_wait3A_115] : memref<8192x128xf32, #tpu.memory_space<hbm>> -> memref<128x128xf32, #tpu.memory_space<hbm>>
    tpu.wait_dma2 semaphore(%arg26 : memref<!tpu.dma_semaphore, #tpu.memory_space<semaphore_mem>>) src(%arg10 : memref<128x128xf32, #tpu.memory_space<vmem>>) dst(%dma_wait3A_116 : memref<128x128xf32, #tpu.memory_space<hbm>>)
    %dma_start3A_117 = arith.constant 1 : i32
    %dma_start3A_118 = arith.constant 0 : i32
    %dma_start3A_119 = tpu.memref_slice %arg18[%dma_start3A_117, %dma_start3A_118] : memref<2x128xi32, #tpu.memory_space<vmem>> -> memref<1x128xi32, #tpu.memory_space<vmem>>
    %dma_start3A_120 = tpu.memref_squeeze %dma_start3A_119 : memref<1x128xi32, #tpu.memory_space<vmem>> -> memref<128xi32, #tpu.memory_space<vmem>>
    %dma_start3A_121 = arith.constant 0 : i32
    %dma_start3A_122 = arith.constant 0 : i32
    %dma_start3A_123 = tpu.memref_slice %arg3[%dma_start3A_121, %dma_start3A_122] : memref<100000x128xf32, #tpu.memory_space<hbm>> -> memref<100000x128xf32, #tpu.memory_space<hbm>>
    tpu.enqueue_indirect_dma source(%dma_start3A_123 : memref<100000x128xf32, #tpu.memory_space<hbm>>) target(%arg10 : memref<128x128xf32, #tpu.memory_space<vmem>>) offsets(%dma_start3A_120 : memref<128xi32, #tpu.memory_space<vmem>>) semaphore(%arg19 : memref<!tpu.dma_semaphore, #tpu.memory_space<semaphore_mem>>)
    %dma_wait3A_124 = arith.constant 0 : i32
    %dma_wait3A_125 = arith.constant 0 : i32
    %dma_wait3A_126 = tpu.memref_slice %arg18[%dma_wait3A_124, %dma_wait3A_125] : memref<2x128xi32, #tpu.memory_space<vmem>> -> memref<1x128xi32, #tpu.memory_space<vmem>>
    %dma_wait3A_127 = tpu.memref_squeeze %dma_wait3A_126 : memref<1x128xi32, #tpu.memory_space<vmem>> -> memref<128xi32, #tpu.memory_space<vmem>>
    %dma_wait3A_128 = arith.constant 0 : i32
    %dma_wait3A_129 = arith.constant 0 : i32
    %dma_wait3A_130 = tpu.memref_slice %arg3[%dma_wait3A_128, %dma_wait3A_129] : memref<100000x128xf32, #tpu.memory_space<hbm>> -> memref<100000x128xf32, #tpu.memory_space<hbm>>
    tpu.wait_indirect_dma semaphore(%arg22 : memref<!tpu.dma_semaphore, #tpu.memory_space<semaphore_mem>>) src(%dma_wait3A_130 : memref<100000x128xf32, #tpu.memory_space<hbm>>) dst(%arg13 : memref<128x128xf32, #tpu.memory_space<vmem>>)
    %dma_start3A_131 = arith.constant 0 : i32
    %dma_start3A_132 = tpu.memref_slice %arg9[%add3A_28, %dma_start3A_131] : memref<8192x128xf32, #tpu.memory_space<hbm>> -> memref<128x128xf32, #tpu.memory_space<hbm>>
    %dma_start3A_133 = arith.constant 0 : i32
    %dma_start3A_134 = tpu.memref_slice %arg9[%add3A_28, %dma_start3A_133] : memref<8192x128xf32, #tpu.memory_space<hbm>> -> memref<128x128xf32, #tpu.memory_space<hbm>>
    tpu.enqueue_dma source(%arg13 : memref<128x128xf32, #tpu.memory_space<vmem>>) target(%dma_start3A_134 : memref<128x128xf32, #tpu.memory_space<hbm>>) target_semaphore(%arg29 : memref<!tpu.dma_semaphore, #tpu.memory_space<semaphore_mem>>)
    %dma_wait3A_135 = arith.constant 1 : i32
    %dma_wait3A_136 = arith.constant 0 : i32
    %dma_wait3A_137 = tpu.memref_slice %arg17[%dma_wait3A_135, %dma_wait3A_136] : memref<2x128xi32, #tpu.memory_space<vmem>> -> memref<1x128xi32, #tpu.memory_space<vmem>>
    %dma_wait3A_138 = tpu.memref_squeeze %dma_wait3A_137 : memref<1x128xi32, #tpu.memory_space<vmem>> -> memref<128xi32, #tpu.memory_space<vmem>>
    %dma_wait3A_139 = arith.constant 0 : i32
    %dma_wait3A_140 = arith.constant 0 : i32
    %dma_wait3A_141 = tpu.memref_slice %arg2[%dma_wait3A_139, %dma_wait3A_140] : memref<100000x128xf32, #tpu.memory_space<hbm>> -> memref<100000x128xf32, #tpu.memory_space<hbm>>
    tpu.wait_indirect_dma semaphore(%arg23 : memref<!tpu.dma_semaphore, #tpu.memory_space<semaphore_mem>>) src(%dma_wait3A_141 : memref<100000x128xf32, #tpu.memory_space<hbm>>) dst(%arg14 : memref<128x128xf32, #tpu.memory_space<vmem>>)
    %dma_start3A_142 = arith.constant 0 : i32
    %dma_start3A_143 = tpu.memref_slice %arg6[%add3A_30, %dma_start3A_142] : memref<8192x128xf32, #tpu.memory_space<hbm>> -> memref<128x128xf32, #tpu.memory_space<hbm>>
    %dma_start3A_144 = arith.constant 0 : i32
    %dma_start3A_145 = tpu.memref_slice %arg6[%add3A_30, %dma_start3A_144] : memref<8192x128xf32, #tpu.memory_space<hbm>> -> memref<128x128xf32, #tpu.memory_space<hbm>>
    tpu.enqueue_dma source(%arg14 : memref<128x128xf32, #tpu.memory_space<vmem>>) target(%dma_start3A_145 : memref<128x128xf32, #tpu.memory_space<hbm>>) target_semaphore(%arg30 : memref<!tpu.dma_semaphore, #tpu.memory_space<semaphore_mem>>)
    %dma_wait3A_146 = arith.constant 1 : i32
    %dma_wait3A_147 = arith.constant 0 : i32
    %dma_wait3A_148 = tpu.memref_slice %arg17[%dma_wait3A_146, %dma_wait3A_147] : memref<2x128xi32, #tpu.memory_space<vmem>> -> memref<1x128xi32, #tpu.memory_space<vmem>>
    %dma_wait3A_149 = tpu.memref_squeeze %dma_wait3A_148 : memref<1x128xi32, #tpu.memory_space<vmem>> -> memref<128xi32, #tpu.memory_space<vmem>>
    %dma_wait3A_150 = arith.constant 0 : i32
    %dma_wait3A_151 = arith.constant 0 : i32
    %dma_wait3A_152 = tpu.memref_slice %arg3[%dma_wait3A_150, %dma_wait3A_151] : memref<100000x128xf32, #tpu.memory_space<hbm>> -> memref<100000x128xf32, #tpu.memory_space<hbm>>
    tpu.wait_indirect_dma semaphore(%arg24 : memref<!tpu.dma_semaphore, #tpu.memory_space<semaphore_mem>>) src(%dma_wait3A_152 : memref<100000x128xf32, #tpu.memory_space<hbm>>) dst(%arg15 : memref<128x128xf32, #tpu.memory_space<vmem>>)
    %dma_start3A_153 = arith.constant 0 : i32
    %dma_start3A_154 = tpu.memref_slice %arg7[%add3A_30, %dma_start3A_153] : memref<8192x128xf32, #tpu.memory_space<hbm>> -> memref<128x128xf32, #tpu.memory_space<hbm>>
    %dma_start3A_155 = arith.constant 0 : i32
    %dma_start3A_156 = tpu.memref_slice %arg7[%add3A_30, %dma_start3A_155] : memref<8192x128xf32, #tpu.memory_space<hbm>> -> memref<128x128xf32, #tpu.memory_space<hbm>>
    tpu.enqueue_dma source(%arg15 : memref<128x128xf32, #tpu.memory_space<vmem>>) target(%dma_start3A_156 : memref<128x128xf32, #tpu.memory_space<hbm>>) target_semaphore(%arg31 : memref<!tpu.dma_semaphore, #tpu.memory_space<semaphore_mem>>)
    %dma_wait3A_157 = arith.constant 1 : i32
    %dma_wait3A_158 = arith.constant 0 : i32
    %dma_wait3A_159 = tpu.memref_slice %arg18[%dma_wait3A_157, %dma_wait3A_158] : memref<2x128xi32, #tpu.memory_space<vmem>> -> memref<1x128xi32, #tpu.memory_space<vmem>>
    %dma_wait3A_160 = tpu.memref_squeeze %dma_wait3A_159 : memref<1x128xi32, #tpu.memory_space<vmem>> -> memref<128xi32, #tpu.memory_space<vmem>>
    %dma_wait3A_161 = arith.constant 0 : i32
    %dma_wait3A_162 = arith.constant 0 : i32
    %dma_wait3A_163 = tpu.memref_slice %arg2[%dma_wait3A_161, %dma_wait3A_162] : memref<100000x128xf32, #tpu.memory_space<hbm>> -> memref<100000x128xf32, #tpu.memory_space<hbm>>
    tpu.wait_indirect_dma semaphore(%arg25 : memref<!tpu.dma_semaphore, #tpu.memory_space<semaphore_mem>>) src(%dma_wait3A_163 : memref<100000x128xf32, #tpu.memory_space<hbm>>) dst(%arg16 : memref<128x128xf32, #tpu.memory_space<vmem>>)
    %dma_start3A_164 = arith.constant 0 : i32
    %dma_start3A_165 = tpu.memref_slice %arg8[%add3A_30, %dma_start3A_164] : memref<8192x128xf32, #tpu.memory_space<hbm>> -> memref<128x128xf32, #tpu.memory_space<hbm>>
    %dma_start3A_166 = arith.constant 0 : i32
    %dma_start3A_167 = tpu.memref_slice %arg8[%add3A_30, %dma_start3A_166] : memref<8192x128xf32, #tpu.memory_space<hbm>> -> memref<128x128xf32, #tpu.memory_space<hbm>>
    tpu.enqueue_dma source(%arg16 : memref<128x128xf32, #tpu.memory_space<vmem>>) target(%dma_start3A_167 : memref<128x128xf32, #tpu.memory_space<hbm>>) target_semaphore(%arg32 : memref<!tpu.dma_semaphore, #tpu.memory_space<semaphore_mem>>)
    %dma_wait3A_168 = arith.constant 1 : i32
    %dma_wait3A_169 = arith.constant 0 : i32
    %dma_wait3A_170 = tpu.memref_slice %arg18[%dma_wait3A_168, %dma_wait3A_169] : memref<2x128xi32, #tpu.memory_space<vmem>> -> memref<1x128xi32, #tpu.memory_space<vmem>>
    %dma_wait3A_171 = tpu.memref_squeeze %dma_wait3A_170 : memref<1x128xi32, #tpu.memory_space<vmem>> -> memref<128xi32, #tpu.memory_space<vmem>>
    %dma_wait3A_172 = arith.constant 0 : i32
    %dma_wait3A_173 = arith.constant 0 : i32
    %dma_wait3A_174 = tpu.memref_slice %arg3[%dma_wait3A_172, %dma_wait3A_173] : memref<100000x128xf32, #tpu.memory_space<hbm>> -> memref<100000x128xf32, #tpu.memory_space<hbm>>
    tpu.wait_indirect_dma semaphore(%arg19 : memref<!tpu.dma_semaphore, #tpu.memory_space<semaphore_mem>>) src(%dma_wait3A_174 : memref<100000x128xf32, #tpu.memory_space<hbm>>) dst(%arg10 : memref<128x128xf32, #tpu.memory_space<vmem>>)
    %dma_start3A_175 = arith.constant 0 : i32
    %dma_start3A_176 = tpu.memref_slice %arg9[%add3A_30, %dma_start3A_175] : memref<8192x128xf32, #tpu.memory_space<hbm>> -> memref<128x128xf32, #tpu.memory_space<hbm>>
    %dma_start3A_177 = arith.constant 0 : i32
    %dma_start3A_178 = tpu.memref_slice %arg9[%add3A_30, %dma_start3A_177] : memref<8192x128xf32, #tpu.memory_space<hbm>> -> memref<128x128xf32, #tpu.memory_space<hbm>>
    tpu.enqueue_dma source(%arg10 : memref<128x128xf32, #tpu.memory_space<vmem>>) target(%dma_start3A_178 : memref<128x128xf32, #tpu.memory_space<hbm>>) target_semaphore(%arg26 : memref<!tpu.dma_semaphore, #tpu.memory_space<semaphore_mem>>)
    %dma_wait3A_179 = arith.constant 0 : i32
    %dma_wait3A_180 = tpu.memref_slice %arg7[%add3A_28, %dma_wait3A_179] : memref<8192x128xf32, #tpu.memory_space<hbm>> -> memref<128x128xf32, #tpu.memory_space<hbm>>
    %dma_wait3A_181 = arith.constant 0 : i32
    %dma_wait3A_182 = tpu.memref_slice %arg7[%add3A_28, %dma_wait3A_181] : memref<8192x128xf32, #tpu.memory_space<hbm>> -> memref<128x128xf32, #tpu.memory_space<hbm>>
    tpu.wait_dma2 semaphore(%arg27 : memref<!tpu.dma_semaphore, #tpu.memory_space<semaphore_mem>>) src(%arg11 : memref<128x128xf32, #tpu.memory_space<vmem>>) dst(%dma_wait3A_182 : memref<128x128xf32, #tpu.memory_space<hbm>>)
    %dma_wait3A_183 = arith.constant 0 : i32
    %dma_wait3A_184 = tpu.memref_slice %arg8[%add3A_28, %dma_wait3A_183] : memref<8192x128xf32, #tpu.memory_space<hbm>> -> memref<128x128xf32, #tpu.memory_space<hbm>>
    %dma_wait3A_185 = arith.constant 0 : i32
    %dma_wait3A_186 = tpu.memref_slice %arg8[%add3A_28, %dma_wait3A_185] : memref<8192x128xf32, #tpu.memory_space<hbm>> -> memref<128x128xf32, #tpu.memory_space<hbm>>
    tpu.wait_dma2 semaphore(%arg28 : memref<!tpu.dma_semaphore, #tpu.memory_space<semaphore_mem>>) src(%arg12 : memref<128x128xf32, #tpu.memory_space<vmem>>) dst(%dma_wait3A_186 : memref<128x128xf32, #tpu.memory_space<hbm>>)
    %dma_wait3A_187 = arith.constant 0 : i32
    %dma_wait3A_188 = tpu.memref_slice %arg9[%add3A_28, %dma_wait3A_187] : memref<8192x128xf32, #tpu.memory_space<hbm>> -> memref<128x128xf32, #tpu.memory_space<hbm>>
    %dma_wait3A_189 = arith.constant 0 : i32
    %dma_wait3A_190 = tpu.memref_slice %arg9[%add3A_28, %dma_wait3A_189] : memref<8192x128xf32, #tpu.memory_space<hbm>> -> memref<128x128xf32, #tpu.memory_space<hbm>>
    tpu.wait_dma2 semaphore(%arg29 : memref<!tpu.dma_semaphore, #tpu.memory_space<semaphore_mem>>) src(%arg13 : memref<128x128xf32, #tpu.memory_space<vmem>>) dst(%dma_wait3A_190 : memref<128x128xf32, #tpu.memory_space<hbm>>)
    %dma_wait3A_191 = arith.constant 0 : i32
    %dma_wait3A_192 = tpu.memref_slice %arg6[%add3A_30, %dma_wait3A_191] : memref<8192x128xf32, #tpu.memory_space<hbm>> -> memref<128x128xf32, #tpu.memory_space<hbm>>
    %dma_wait3A_193 = arith.constant 0 : i32
    %dma_wait3A_194 = tpu.memref_slice %arg6[%add3A_30, %dma_wait3A_193] : memref<8192x128xf32, #tpu.memory_space<hbm>> -> memref<128x128xf32, #tpu.memory_space<hbm>>
    tpu.wait_dma2 semaphore(%arg30 : memref<!tpu.dma_semaphore, #tpu.memory_space<semaphore_mem>>) src(%arg14 : memref<128x128xf32, #tpu.memory_space<vmem>>) dst(%dma_wait3A_194 : memref<128x128xf32, #tpu.memory_space<hbm>>)
    %dma_wait3A_195 = arith.constant 0 : i32
    %dma_wait3A_196 = tpu.memref_slice %arg7[%add3A_30, %dma_wait3A_195] : memref<8192x128xf32, #tpu.memory_space<hbm>> -> memref<128x128xf32, #tpu.memory_space<hbm>>
    %dma_wait3A_197 = arith.constant 0 : i32
    %dma_wait3A_198 = tpu.memref_slice %arg7[%add3A_30, %dma_wait3A_197] : memref<8192x128xf32, #tpu.memory_space<hbm>> -> memref<128x128xf32, #tpu.memory_space<hbm>>
    tpu.wait_dma2 semaphore(%arg31 : memref<!tpu.dma_semaphore, #tpu.memory_space<semaphore_mem>>) src(%arg15 : memref<128x128xf32, #tpu.memory_space<vmem>>) dst(%dma_wait3A_198 : memref<128x128xf32, #tpu.memory_space<hbm>>)
    %dma_wait3A_199 = arith.constant 0 : i32
    %dma_wait3A_200 = tpu.memref_slice %arg8[%add3A_30, %dma_wait3A_199] : memref<8192x128xf32, #tpu.memory_space<hbm>> -> memref<128x128xf32, #tpu.memory_space<hbm>>
    %dma_wait3A_201 = arith.constant 0 : i32
    %dma_wait3A_202 = tpu.memref_slice %arg8[%add3A_30, %dma_wait3A_201] : memref<8192x128xf32, #tpu.memory_space<hbm>> -> memref<128x128xf32, #tpu.memory_space<hbm>>
    tpu.wait_dma2 semaphore(%arg32 : memref<!tpu.dma_semaphore, #tpu.memory_space<semaphore_mem>>) src(%arg16 : memref<128x128xf32, #tpu.memory_space<vmem>>) dst(%dma_wait3A_202 : memref<128x128xf32, #tpu.memory_space<hbm>>)
    %dma_wait3A_203 = arith.constant 0 : i32
    %dma_wait3A_204 = tpu.memref_slice %arg9[%add3A_30, %dma_wait3A_203] : memref<8192x128xf32, #tpu.memory_space<hbm>> -> memref<128x128xf32, #tpu.memory_space<hbm>>
    %dma_wait3A_205 = arith.constant 0 : i32
    %dma_wait3A_206 = tpu.memref_slice %arg9[%add3A_30, %dma_wait3A_205] : memref<8192x128xf32, #tpu.memory_space<hbm>> -> memref<128x128xf32, #tpu.memory_space<hbm>>
    tpu.wait_dma2 semaphore(%arg26 : memref<!tpu.dma_semaphore, #tpu.memory_space<semaphore_mem>>) src(%arg10 : memref<128x128xf32, #tpu.memory_space<vmem>>) dst(%dma_wait3A_206 : memref<128x128xf32, #tpu.memory_space<hbm>>)
    return
  }
}

module attributes {stable_mosaic.version = 14 : i64} {
  func.func @_tc_mlp_body(%arg0: i32, %arg1: memref<1024x128xf32, #tpu.memory_space<vmem>>, %arg2: memref<1024x128xf32, #tpu.memory_space<vmem>>, %arg3: memref<1024x128xf32, #tpu.memory_space<vmem>>, %arg4: memref<1024x128xf32, #tpu.memory_space<vmem>>, %arg5: memref<1x1024xi32, #tpu.memory_space<vmem>>, %arg6: memref<1x1024xi32, #tpu.memory_space<vmem>>, %arg7: memref<1024x256xbf16, #tpu.memory_space<vmem>>, %arg8: memref<1x1024xf32, #tpu.memory_space<vmem>>, %arg9: memref<1x1024xf32, #tpu.memory_space<vmem>>, %arg10: memref<256x128xf32, #tpu.memory_space<vmem>>, %arg11: memref<1x128xf32, #tpu.memory_space<vmem>>, %arg12: memref<1x128xf32, #tpu.memory_space<vmem>>, %arg13: memref<1x1xf32, #tpu.memory_space<vmem>>, %arg14: memref<1x1xf32, #tpu.memory_space<vmem>>, %arg15: memref<1x1xf32, #tpu.memory_space<vmem>>, %arg16: memref<1x1xf32, #tpu.memory_space<vmem>>, %arg17: memref<1x1024xf32, #tpu.memory_space<vmem>>, %arg18: memref<1x1024xf32, #tpu.memory_space<vmem>>) attributes {dimension_semantics = [#tpu.dimension_semantics<arbitrary>], iteration_bounds = array<i64: 8>, scalar_prefetch = 0 : i64, scratch_operands = 0 : i64, tpu.core_type = #tpu.core_type<tc>, window_params = [{transform_indices = @transform_0, window_bounds = array<i64: 1024, 128>}, {transform_indices = @transform_1, window_bounds = array<i64: 1024, 128>}, {transform_indices = @transform_2, window_bounds = array<i64: 1024, 128>}, {transform_indices = @transform_3, window_bounds = array<i64: 1024, 128>}, {transform_indices = @transform_4, window_bounds = array<i64: 1, 1024>}, {transform_indices = @transform_5, window_bounds = array<i64: 1, 1024>}, {pipeline_mode = #tpu.pipeline_mode<synchronous>, transform_indices = @transform_6, window_bounds = array<i64: 1024, 256>}, {transform_indices = @transform_7, window_bounds = array<i64: 1, 1024>}, {transform_indices = @transform_8, window_bounds = array<i64: 1, 1024>}, {pipeline_mode = #tpu.pipeline_mode<synchronous>, transform_indices = @transform_9, window_bounds = array<i64: 256, 128>}, {pipeline_mode = #tpu.pipeline_mode<synchronous>, transform_indices = @transform_10, window_bounds = array<i64: 1, 128>}, {pipeline_mode = #tpu.pipeline_mode<synchronous>, transform_indices = @transform_11, window_bounds = array<i64: 1, 128>}, {pipeline_mode = #tpu.pipeline_mode<synchronous>, transform_indices = @transform_12, window_bounds = array<i64: 1, 1>}, {pipeline_mode = #tpu.pipeline_mode<synchronous>, transform_indices = @transform_13, window_bounds = array<i64: 1, 1>}, {pipeline_mode = #tpu.pipeline_mode<synchronous>, transform_indices = @transform_14, window_bounds = array<i64: 1, 1>}, {pipeline_mode = #tpu.pipeline_mode<synchronous>, transform_indices = @transform_15, window_bounds = array<i64: 1, 1>}, {transform_indices = @transform_16, window_bounds = array<i64: 1, 1024>}, {transform_indices = @transform_17, window_bounds = array<i64: 1, 1024>}]} {
    %iota3A = tpu.iota {dimensions = array<i32: 1>} : vector<1024x1024xi32>
    %get3A = arith.constant 0 : index
    %get3A_0 = arith.constant 0 : index
    %get3A_1 = vector.load %arg5[%get3A, %get3A_0] : memref<1x1024xi32, #tpu.memory_space<vmem>>, vector<1x1024xi32>
    %reshape3A = vector.shape_cast %get3A_1 : vector<1x1024xi32> to vector<1024x1xi32>
    %eq3A = vector.broadcast %reshape3A : vector<1024x1xi32> to vector<1024x1024xi32>
    %eq3A_2 = arith.cmpi eq, %iota3A, %eq3A : vector<1024x1024xi32>
    %convert_element_type3A = arith.extui %eq3A_2 : vector<1024x1024xi1> to vector<1024x1024xi32>
    %convert_element_type3A_3 = arith.sitofp %convert_element_type3A : vector<1024x1024xi32> to vector<1024x1024xf32>
    %convert_element_type3A_4 = arith.truncf %convert_element_type3A_3 : vector<1024x1024xf32> to vector<1024x1024xbf16>
    %get3A_5 = arith.constant 0 : index
    %get3A_6 = arith.constant 0 : index
    %get3A_7 = vector.load %arg6[%get3A_5, %get3A_6] : memref<1x1024xi32, #tpu.memory_space<vmem>>, vector<1x1024xi32>
    %reshape3A_8 = vector.shape_cast %get3A_7 : vector<1x1024xi32> to vector<1024x1xi32>
    %eq3A_9 = vector.broadcast %reshape3A_8 : vector<1024x1xi32> to vector<1024x1024xi32>
    %eq3A_10 = arith.cmpi eq, %iota3A, %eq3A_9 : vector<1024x1024xi32>
    %convert_element_type3A_11 = arith.extui %eq3A_10 : vector<1024x1024xi1> to vector<1024x1024xi32>
    %convert_element_type3A_12 = arith.sitofp %convert_element_type3A_11 : vector<1024x1024xi32> to vector<1024x1024xf32>
    %convert_element_type3A_13 = arith.truncf %convert_element_type3A_12 : vector<1024x1024xf32> to vector<1024x1024xbf16>
    %get3A_14 = arith.constant 0 : index
    %get3A_15 = arith.constant 0 : index
    %get3A_16 = vector.load %arg7[%get3A_14, %get3A_15] : memref<1024x256xbf16, #tpu.memory_space<vmem>>, vector<1024x256xbf16>
    %dot_general3A = arith.constant dense<0.000000e+00> : vector<1024x256xf32>
    %dot_general3A_17 = tpu.matmul %convert_element_type3A_4, %get3A_16, %dot_general3A {dimension_numbers = #tpu.dot_dimension_numbers<[1], [0], [0], [1], [0, 0, 1, 1], [], []>, transpose_lhs_hint = false} : vector<1024x1024xbf16>, vector<1024x256xbf16>, vector<1024x256xf32> -> vector<1024x256xf32>
    %get3A_18 = arith.constant 0 : index
    %get3A_19 = arith.constant 0 : index
    %get3A_20 = vector.load %arg7[%get3A_18, %get3A_19] : memref<1024x256xbf16, #tpu.memory_space<vmem>>, vector<1024x256xbf16>
    %dot_general3A_21 = arith.constant dense<0.000000e+00> : vector<1024x256xf32>
    %dot_general3A_22 = tpu.matmul %convert_element_type3A_13, %get3A_20, %dot_general3A_21 {dimension_numbers = #tpu.dot_dimension_numbers<[1], [0], [0], [1], [0, 0, 1, 1], [], []>, transpose_lhs_hint = false} : vector<1024x1024xbf16>, vector<1024x256xbf16>, vector<1024x256xf32> -> vector<1024x256xf32>
    %get3A_23 = arith.constant 0 : index
    %get3A_24 = arith.constant 0 : index
    %get3A_25 = vector.load %arg1[%get3A_23, %get3A_24] : memref<1024x128xf32, #tpu.memory_space<vmem>>, vector<1024x128xf32>
    %slice3A = vector.extract_strided_slice %dot_general3A_17 {offsets = [0, 0], sizes = [1024, 128], strides = [1, 1]} : vector<1024x256xf32> to vector<1024x128xf32>
    %add3A = arith.addf %get3A_25, %slice3A : vector<1024x128xf32>
    %get3A_26 = arith.constant 0 : index
    %get3A_27 = arith.constant 0 : index
    %get3A_28 = vector.load %arg2[%get3A_26, %get3A_27] : memref<1024x128xf32, #tpu.memory_space<vmem>>, vector<1024x128xf32>
    %slice3A_29 = vector.extract_strided_slice %dot_general3A_17 {offsets = [0, 128], sizes = [1024, 128], strides = [1, 1]} : vector<1024x256xf32> to vector<1024x128xf32>
    %add3A_30 = arith.addf %get3A_28, %slice3A_29 : vector<1024x128xf32>
    %get3A_31 = arith.constant 0 : index
    %get3A_32 = arith.constant 0 : index
    %get3A_33 = vector.load %arg3[%get3A_31, %get3A_32] : memref<1024x128xf32, #tpu.memory_space<vmem>>, vector<1024x128xf32>
    %slice3A_34 = vector.extract_strided_slice %dot_general3A_22 {offsets = [0, 0], sizes = [1024, 128], strides = [1, 1]} : vector<1024x256xf32> to vector<1024x128xf32>
    %add3A_35 = arith.addf %get3A_33, %slice3A_34 : vector<1024x128xf32>
    %get3A_36 = arith.constant 0 : index
    %get3A_37 = arith.constant 0 : index
    %get3A_38 = vector.load %arg4[%get3A_36, %get3A_37] : memref<1024x128xf32, #tpu.memory_space<vmem>>, vector<1024x128xf32>
    %slice3A_39 = vector.extract_strided_slice %dot_general3A_22 {offsets = [0, 128], sizes = [1024, 128], strides = [1, 1]} : vector<1024x256xf32> to vector<1024x128xf32>
    %add3A_40 = arith.addf %get3A_38, %slice3A_39 : vector<1024x128xf32>
    %get3A_41 = arith.constant 0 : index
    %get3A_42 = arith.constant 0 : index
    %get3A_43 = vector.load %arg10[%get3A_41, %get3A_42] : memref<256x128xf32, #tpu.memory_space<vmem>>, vector<128x128xf32>
    %get3A_44 = arith.constant 128 : index
    %get3A_45 = arith.constant 0 : index
    %get3A_46 = vector.load %arg10[%get3A_44, %get3A_45] : memref<256x128xf32, #tpu.memory_space<vmem>>, vector<128x128xf32>
    %get3A_47 = arith.constant 0 : index
    %get3A_48 = arith.constant 0 : index
    %get3A_49 = vector.load %arg11[%get3A_47, %get3A_48] : memref<1x128xf32, #tpu.memory_space<vmem>>, vector<1x128xf32>
    %dot_general3A_50 = arith.constant dense<0.000000e+00> : vector<1024x128xf32>
    %dot_general3A_51 = tpu.matmul %add3A, %get3A_43, %dot_general3A_50 {dimension_numbers = #tpu.dot_dimension_numbers<[1], [0], [0], [1], [0, 0, 1, 1], [], []>, transpose_lhs_hint = false} : vector<1024x128xf32>, vector<128x128xf32>, vector<1024x128xf32> -> vector<1024x128xf32>
    %dot_general3A_52 = arith.constant dense<0.000000e+00> : vector<1024x128xf32>
    %dot_general3A_53 = tpu.matmul %add3A_40, %get3A_46, %dot_general3A_52 {dimension_numbers = #tpu.dot_dimension_numbers<[1], [0], [0], [1], [0, 0, 1, 1], [], []>, transpose_lhs_hint = false} : vector<1024x128xf32>, vector<128x128xf32>, vector<1024x128xf32> -> vector<1024x128xf32>
    %add3A_54 = arith.addf %dot_general3A_51, %dot_general3A_53 : vector<1024x128xf32>
    %add3A_55 = vector.broadcast %get3A_49 : vector<1x128xf32> to vector<1024x128xf32>
    %add3A_56 = arith.addf %add3A_54, %add3A_55 : vector<1024x128xf32>
    %max3A = arith.constant 0.000000e+00 : f32
    %max3A_57 = vector.broadcast %max3A : f32 to vector<1024x128xf32>
    %max3A_58 = arith.maximumf %add3A_56, %max3A_57 : vector<1024x128xf32>
    %dot_general3A_59 = arith.constant dense<0.000000e+00> : vector<1024x128xf32>
    %dot_general3A_60 = tpu.matmul %add3A_35, %get3A_43, %dot_general3A_59 {dimension_numbers = #tpu.dot_dimension_numbers<[1], [0], [0], [1], [0, 0, 1, 1], [], []>, transpose_lhs_hint = false} : vector<1024x128xf32>, vector<128x128xf32>, vector<1024x128xf32> -> vector<1024x128xf32>
    %dot_general3A_61 = arith.constant dense<0.000000e+00> : vector<1024x128xf32>
    %dot_general3A_62 = tpu.matmul %add3A_30, %get3A_46, %dot_general3A_61 {dimension_numbers = #tpu.dot_dimension_numbers<[1], [0], [0], [1], [0, 0, 1, 1], [], []>, transpose_lhs_hint = false} : vector<1024x128xf32>, vector<128x128xf32>, vector<1024x128xf32> -> vector<1024x128xf32>
    %add3A_63 = arith.addf %dot_general3A_60, %dot_general3A_62 : vector<1024x128xf32>
    %add3A_64 = vector.broadcast %get3A_49 : vector<1x128xf32> to vector<1024x128xf32>
    %add3A_65 = arith.addf %add3A_63, %add3A_64 : vector<1024x128xf32>
    %max3A_66 = arith.constant 0.000000e+00 : f32
    %max3A_67 = vector.broadcast %max3A_66 : f32 to vector<1024x128xf32>
    %max3A_68 = arith.maximumf %add3A_65, %max3A_67 : vector<1024x128xf32>
    %get3A_69 = arith.constant 0 : index
    %get3A_70 = arith.constant 0 : index
    %get3A_71 = vector.load %arg12[%get3A_69, %get3A_70] : memref<1x128xf32, #tpu.memory_space<vmem>>, vector<1x128xf32>
    %dot_general3A_72 = arith.constant dense<0.000000e+00> : vector<1x1024xf32>
    %dot_general3A_73 = tpu.matmul %get3A_71, %max3A_58, %dot_general3A_72 {dimension_numbers = #tpu.dot_dimension_numbers<[1], [1], [0], [0], [0, 0, 1, 0], [], []>, transpose_lhs_hint = false} : vector<1x128xf32>, vector<1024x128xf32>, vector<1x1024xf32> -> vector<1x1024xf32>
    %get3A_74 = arith.constant 0 : index
    %get3A_75 = arith.constant 0 : index
    %get3A_76 = vector.load %arg13[%get3A_74, %get3A_75] : memref<1x1xf32, #tpu.memory_space<vmem>>, vector<1x1xf32>
    %get3A_77 = vector.extract %get3A_76[0, 0] : f32 from vector<1x1xf32>
    %add3A_78 = vector.broadcast %get3A_77 : f32 to vector<1x1024xf32>
    %add3A_79 = arith.addf %dot_general3A_73, %add3A_78 : vector<1x1024xf32>
    %dot_general3A_80 = arith.constant dense<0.000000e+00> : vector<1x1024xf32>
    %dot_general3A_81 = tpu.matmul %get3A_71, %max3A_68, %dot_general3A_80 {dimension_numbers = #tpu.dot_dimension_numbers<[1], [1], [0], [0], [0, 0, 1, 0], [], []>, transpose_lhs_hint = false} : vector<1x128xf32>, vector<1024x128xf32>, vector<1x1024xf32> -> vector<1x1024xf32>
    %get3A_82 = arith.constant 0 : index
    %get3A_83 = arith.constant 0 : index
    %get3A_84 = vector.load %arg13[%get3A_82, %get3A_83] : memref<1x1xf32, #tpu.memory_space<vmem>>, vector<1x1xf32>
    %get3A_85 = vector.extract %get3A_84[0, 0] : f32 from vector<1x1xf32>
    %add3A_86 = vector.broadcast %get3A_85 : f32 to vector<1x1024xf32>
    %add3A_87 = arith.addf %dot_general3A_81, %add3A_86 : vector<1x1024xf32>
    %get3A_88 = arith.constant 0 : index
    %get3A_89 = arith.constant 0 : index
    %get3A_90 = vector.load %arg14[%get3A_88, %get3A_89] : memref<1x1xf32, #tpu.memory_space<vmem>>, vector<1x1xf32>
    %get3A_91 = vector.extract %get3A_90[0, 0] : f32 from vector<1x1xf32>
    %get3A_92 = arith.constant 0 : index
    %get3A_93 = arith.constant 0 : index
    %get3A_94 = vector.load %arg15[%get3A_92, %get3A_93] : memref<1x1xf32, #tpu.memory_space<vmem>>, vector<1x1xf32>
    %get3A_95 = vector.extract %get3A_94[0, 0] : f32 from vector<1x1xf32>
    %get3A_96 = arith.constant 0 : index
    %get3A_97 = arith.constant 0 : index
    %get3A_98 = vector.load %arg16[%get3A_96, %get3A_97] : memref<1x1xf32, #tpu.memory_space<vmem>>, vector<1x1xf32>
    %get3A_99 = vector.extract %get3A_98[0, 0] : f32 from vector<1x1xf32>
    %mul3A = vector.broadcast %get3A_91 : f32 to vector<1x1024xf32>
    %mul3A_100 = arith.mulf %add3A_79, %mul3A : vector<1x1024xf32>
    %add3A_101 = vector.broadcast %get3A_95 : f32 to vector<1x1024xf32>
    %add3A_102 = arith.addf %mul3A_100, %add3A_101 : vector<1x1024xf32>
    %get3A_103 = arith.constant 0 : index
    %get3A_104 = arith.constant 0 : index
    %get3A_105 = vector.load %arg8[%get3A_103, %get3A_104] : memref<1x1024xf32, #tpu.memory_space<vmem>>, vector<1x1024xf32>
    %mul3A_106 = vector.broadcast %get3A_99 : f32 to vector<1x1024xf32>
    %mul3A_107 = arith.mulf %get3A_105, %mul3A_106 : vector<1x1024xf32>
    %add3A_108 = arith.addf %add3A_102, %mul3A_107 : vector<1x1024xf32>
    %swap3A = arith.constant 0 : index
    %swap3A_109 = arith.constant 0 : index
    %swap3A_110 = vector.load %arg17[%swap3A, %swap3A_109] : memref<1x1024xf32, #tpu.memory_space<vmem>>, vector<1x1024xf32>
    tpu.vector_store %arg17[%swap3A, %swap3A_109], %add3A_108 {strides = array<i32>} : memref<1x1024xf32, #tpu.memory_space<vmem>>, vector<1x1024xf32>,
    %mul3A_111 = vector.broadcast %get3A_91 : f32 to vector<1x1024xf32>
    %mul3A_112 = arith.mulf %add3A_87, %mul3A_111 : vector<1x1024xf32>
    %add3A_113 = vector.broadcast %get3A_95 : f32 to vector<1x1024xf32>
    %add3A_114 = arith.addf %mul3A_112, %add3A_113 : vector<1x1024xf32>
    %get3A_115 = arith.constant 0 : index
    %get3A_116 = arith.constant 0 : index
    %get3A_117 = vector.load %arg9[%get3A_115, %get3A_116] : memref<1x1024xf32, #tpu.memory_space<vmem>>, vector<1x1024xf32>
    %mul3A_118 = vector.broadcast %get3A_99 : f32 to vector<1x1024xf32>
    %mul3A_119 = arith.mulf %get3A_117, %mul3A_118 : vector<1x1024xf32>
    %add3A_120 = arith.addf %add3A_114, %mul3A_119 : vector<1x1024xf32>
    %swap3A_121 = arith.constant 0 : index
    %swap3A_122 = arith.constant 0 : index
    %swap3A_123 = vector.load %arg18[%swap3A_121, %swap3A_122] : memref<1x1024xf32, #tpu.memory_space<vmem>>, vector<1x1024xf32>
    tpu.vector_store %arg18[%swap3A_121, %swap3A_122], %add3A_120 {strides = array<i32>} : memref<1x1024xf32, #tpu.memory_space<vmem>>, vector<1x1024xf32>,
    return
  }
  func.func @transform_0(%arg0: i32) -> (i32, i32) {
    %c0_i32 = arith.constant 0 : i32
    %c0_i32_0 = arith.constant 0 : i32
    return %arg0, %c0_i32 : i32, i32
  }
  func.func @transform_1(%arg0: i32) -> (i32, i32) {
    %c0_i32 = arith.constant 0 : i32
    %c0_i32_0 = arith.constant 0 : i32
    return %arg0, %c0_i32 : i32, i32
  }
  func.func @transform_2(%arg0: i32) -> (i32, i32) {
    %c0_i32 = arith.constant 0 : i32
    %c0_i32_0 = arith.constant 0 : i32
    return %arg0, %c0_i32 : i32, i32
  }
  func.func @transform_3(%arg0: i32) -> (i32, i32) {
    %c0_i32 = arith.constant 0 : i32
    %c0_i32_0 = arith.constant 0 : i32
    return %arg0, %c0_i32 : i32, i32
  }
  func.func @transform_4(%arg0: i32) -> (i32, i32) {
    %add3A = arith.constant 8 : i32
    %add3A_0 = arith.addi %arg0, %add3A : i32
    %c0_i32 = arith.constant 0 : i32
    %c0_i32_1 = arith.constant 0 : i32
    return %c0_i32, %add3A_0 : i32, i32
  }
  func.func @transform_5(%arg0: i32) -> (i32, i32) {
    %add3A = arith.constant 8 : i32
    %add3A_0 = arith.addi %arg0, %add3A : i32
    %c0_i32 = arith.constant 0 : i32
    %c0_i32_1 = arith.constant 0 : i32
    return %c0_i32, %add3A_0 : i32, i32
  }
  func.func @transform_6(%arg0: i32) -> (i32, i32) {
    %c0_i32 = arith.constant 0 : i32
    %c0_i32_0 = arith.constant 0 : i32
    %c0_i32_1 = arith.constant 0 : i32
    return %c0_i32, %c0_i32_0 : i32, i32
  }
  func.func @transform_7(%arg0: i32) -> (i32, i32) {
    %add3A = arith.constant 8 : i32
    %add3A_0 = arith.addi %arg0, %add3A : i32
    %c0_i32 = arith.constant 0 : i32
    %c0_i32_1 = arith.constant 0 : i32
    return %c0_i32, %add3A_0 : i32, i32
  }
  func.func @transform_8(%arg0: i32) -> (i32, i32) {
    %add3A = arith.constant 8 : i32
    %add3A_0 = arith.addi %arg0, %add3A : i32
    %c0_i32 = arith.constant 0 : i32
    %c0_i32_1 = arith.constant 0 : i32
    return %c0_i32, %add3A_0 : i32, i32
  }
  func.func @transform_9(%arg0: i32) -> (i32, i32) {
    %c0_i32 = arith.constant 0 : i32
    %c0_i32_0 = arith.constant 0 : i32
    %c0_i32_1 = arith.constant 0 : i32
    return %c0_i32, %c0_i32_0 : i32, i32
  }
  func.func @transform_10(%arg0: i32) -> (i32, i32) {
    %c0_i32 = arith.constant 0 : i32
    %c0_i32_0 = arith.constant 0 : i32
    %c0_i32_1 = arith.constant 0 : i32
    return %c0_i32, %c0_i32_0 : i32, i32
  }
  func.func @transform_11(%arg0: i32) -> (i32, i32) {
    %c0_i32 = arith.constant 0 : i32
    %c0_i32_0 = arith.constant 0 : i32
    %c0_i32_1 = arith.constant 0 : i32
    return %c0_i32, %c0_i32_0 : i32, i32
  }
  func.func @transform_12(%arg0: i32) -> (i32, i32) {
    %c0_i32 = arith.constant 0 : i32
    %c0_i32_0 = arith.constant 0 : i32
    %c0_i32_1 = arith.constant 0 : i32
    return %c0_i32, %c0_i32_0 : i32, i32
  }
  func.func @transform_13(%arg0: i32) -> (i32, i32) {
    %c0_i32 = arith.constant 0 : i32
    %c0_i32_0 = arith.constant 0 : i32
    %c0_i32_1 = arith.constant 0 : i32
    return %c0_i32, %c0_i32_0 : i32, i32
  }
  func.func @transform_14(%arg0: i32) -> (i32, i32) {
    %c0_i32 = arith.constant 0 : i32
    %c0_i32_0 = arith.constant 0 : i32
    %c0_i32_1 = arith.constant 0 : i32
    return %c0_i32, %c0_i32_0 : i32, i32
  }
  func.func @transform_15(%arg0: i32) -> (i32, i32) {
    %c0_i32 = arith.constant 0 : i32
    %c0_i32_0 = arith.constant 0 : i32
    %c0_i32_1 = arith.constant 0 : i32
    return %c0_i32, %c0_i32_0 : i32, i32
  }
  func.func @transform_16(%arg0: i32) -> (i32, i32) {
    %c0_i32 = arith.constant 0 : i32
    %c0_i32_0 = arith.constant 0 : i32
    return %c0_i32, %arg0 : i32, i32
  }
  func.func @transform_17(%arg0: i32) -> (i32, i32) {
    %c0_i32 = arith.constant 0 : i32
    %c0_i32_0 = arith.constant 0 : i32
    return %c0_i32, %arg0 : i32, i32
  }
}

module attributes {stable_mosaic.version = 14 : i64} {
  func.func @_tc_mlp_body(%arg0: i32, %arg1: memref<1024x128xf32, #tpu.memory_space<vmem>>, %arg2: memref<1024x128xf32, #tpu.memory_space<vmem>>, %arg3: memref<1024x128xf32, #tpu.memory_space<vmem>>, %arg4: memref<1024x128xf32, #tpu.memory_space<vmem>>, %arg5: memref<1x1024xi32, #tpu.memory_space<vmem>>, %arg6: memref<1x1024xi32, #tpu.memory_space<vmem>>, %arg7: memref<1024x256xbf16, #tpu.memory_space<vmem>>, %arg8: memref<1x1024xf32, #tpu.memory_space<vmem>>, %arg9: memref<1x1024xf32, #tpu.memory_space<vmem>>, %arg10: memref<256x128xf32, #tpu.memory_space<vmem>>, %arg11: memref<1x128xf32, #tpu.memory_space<vmem>>, %arg12: memref<1x128xf32, #tpu.memory_space<vmem>>, %arg13: memref<1x1xf32, #tpu.memory_space<vmem>>, %arg14: memref<1x1xf32, #tpu.memory_space<vmem>>, %arg15: memref<1x1xf32, #tpu.memory_space<vmem>>, %arg16: memref<1x1xf32, #tpu.memory_space<vmem>>, %arg17: memref<1x1024xf32, #tpu.memory_space<vmem>>, %arg18: memref<1x1024xf32, #tpu.memory_space<vmem>>) attributes {dimension_semantics = [#tpu.dimension_semantics<arbitrary>], iteration_bounds = array<i64: 8>, scalar_prefetch = 0 : i64, scratch_operands = 0 : i64, tpu.core_type = #tpu.core_type<tc>, window_params = [{transform_indices = @transform_0, window_bounds = array<i64: 1024, 128>}, {transform_indices = @transform_1, window_bounds = array<i64: 1024, 128>}, {transform_indices = @transform_2, window_bounds = array<i64: 1024, 128>}, {transform_indices = @transform_3, window_bounds = array<i64: 1024, 128>}, {transform_indices = @transform_4, window_bounds = array<i64: 1, 1024>}, {transform_indices = @transform_5, window_bounds = array<i64: 1, 1024>}, {pipeline_mode = #tpu.pipeline_mode<synchronous>, transform_indices = @transform_6, window_bounds = array<i64: 1024, 256>}, {transform_indices = @transform_7, window_bounds = array<i64: 1, 1024>}, {transform_indices = @transform_8, window_bounds = array<i64: 1, 1024>}, {pipeline_mode = #tpu.pipeline_mode<synchronous>, transform_indices = @transform_9, window_bounds = array<i64: 256, 128>}, {pipeline_mode = #tpu.pipeline_mode<synchronous>, transform_indices = @transform_10, window_bounds = array<i64: 1, 128>}, {pipeline_mode = #tpu.pipeline_mode<synchronous>, transform_indices = @transform_11, window_bounds = array<i64: 1, 128>}, {pipeline_mode = #tpu.pipeline_mode<synchronous>, transform_indices = @transform_12, window_bounds = array<i64: 1, 1>}, {pipeline_mode = #tpu.pipeline_mode<synchronous>, transform_indices = @transform_13, window_bounds = array<i64: 1, 1>}, {pipeline_mode = #tpu.pipeline_mode<synchronous>, transform_indices = @transform_14, window_bounds = array<i64: 1, 1>}, {pipeline_mode = #tpu.pipeline_mode<synchronous>, transform_indices = @transform_15, window_bounds = array<i64: 1, 1>}, {transform_indices = @transform_16, window_bounds = array<i64: 1, 1024>}, {transform_indices = @transform_17, window_bounds = array<i64: 1, 1024>}]} {
    %iota3A = tpu.iota {dimensions = array<i32: 1>} : vector<1024x1024xi32>
    %get3A = arith.constant 0 : index
    %get3A_0 = arith.constant 0 : index
    %get3A_1 = vector.load %arg5[%get3A, %get3A_0] : memref<1x1024xi32, #tpu.memory_space<vmem>>, vector<1x1024xi32>
    %reshape3A = vector.shape_cast %get3A_1 : vector<1x1024xi32> to vector<1024x1xi32>
    %eq3A = vector.broadcast %reshape3A : vector<1024x1xi32> to vector<1024x1024xi32>
    %eq3A_2 = arith.cmpi eq, %iota3A, %eq3A : vector<1024x1024xi32>
    %convert_element_type3A = arith.extui %eq3A_2 : vector<1024x1024xi1> to vector<1024x1024xi32>
    %convert_element_type3A_3 = arith.sitofp %convert_element_type3A : vector<1024x1024xi32> to vector<1024x1024xf32>
    %convert_element_type3A_4 = arith.truncf %convert_element_type3A_3 : vector<1024x1024xf32> to vector<1024x1024xbf16>
    %get3A_5 = arith.constant 0 : index
    %get3A_6 = arith.constant 0 : index
    %get3A_7 = vector.load %arg6[%get3A_5, %get3A_6] : memref<1x1024xi32, #tpu.memory_space<vmem>>, vector<1x1024xi32>
    %reshape3A_8 = vector.shape_cast %get3A_7 : vector<1x1024xi32> to vector<1024x1xi32>
    %eq3A_9 = vector.broadcast %reshape3A_8 : vector<1024x1xi32> to vector<1024x1024xi32>
    %eq3A_10 = arith.cmpi eq, %iota3A, %eq3A_9 : vector<1024x1024xi32>
    %convert_element_type3A_11 = arith.extui %eq3A_10 : vector<1024x1024xi1> to vector<1024x1024xi32>
    %convert_element_type3A_12 = arith.sitofp %convert_element_type3A_11 : vector<1024x1024xi32> to vector<1024x1024xf32>
    %convert_element_type3A_13 = arith.truncf %convert_element_type3A_12 : vector<1024x1024xf32> to vector<1024x1024xbf16>
    %get3A_14 = arith.constant 0 : index
    %get3A_15 = arith.constant 0 : index
    %get3A_16 = vector.load %arg7[%get3A_14, %get3A_15] : memref<1024x256xbf16, #tpu.memory_space<vmem>>, vector<1024x256xbf16>
    %dot_general3A = arith.constant dense<0.000000e+00> : vector<1024x256xf32>
    %dot_general3A_17 = tpu.matmul %convert_element_type3A_4, %get3A_16, %dot_general3A {dimension_numbers = #tpu.dot_dimension_numbers<[1], [0], [0], [1], [0, 0, 1, 1], [], []>, transpose_lhs_hint = false} : vector<1024x1024xbf16>, vector<1024x256xbf16>, vector<1024x256xf32> -> vector<1024x256xf32>
    %get3A_18 = arith.constant 0 : index
    %get3A_19 = arith.constant 0 : index
    %get3A_20 = vector.load %arg7[%get3A_18, %get3A_19] : memref<1024x256xbf16, #tpu.memory_space<vmem>>, vector<1024x256xbf16>
    %dot_general3A_21 = arith.constant dense<0.000000e+00> : vector<1024x256xf32>
    %dot_general3A_22 = tpu.matmul %convert_element_type3A_13, %get3A_20, %dot_general3A_21 {dimension_numbers = #tpu.dot_dimension_numbers<[1], [0], [0], [1], [0, 0, 1, 1], [], []>, transpose_lhs_hint = false} : vector<1024x1024xbf16>, vector<1024x256xbf16>, vector<1024x256xf32> -> vector<1024x256xf32>
    %get3A_23 = arith.constant 0 : index
    %get3A_24 = arith.constant 0 : index
    %get3A_25 = vector.load %arg1[%get3A_23, %get3A_24] : memref<1024x128xf32, #tpu.memory_space<vmem>>, vector<1024x128xf32>
    %slice3A = vector.extract_strided_slice %dot_general3A_17 {offsets = [0, 0], sizes = [1024, 128], strides = [1, 1]} : vector<1024x256xf32> to vector<1024x128xf32>
    %add3A = arith.addf %get3A_25, %slice3A : vector<1024x128xf32>
    %get3A_26 = arith.constant 0 : index
    %get3A_27 = arith.constant 0 : index
    %get3A_28 = vector.load %arg2[%get3A_26, %get3A_27] : memref<1024x128xf32, #tpu.memory_space<vmem>>, vector<1024x128xf32>
    %slice3A_29 = vector.extract_strided_slice %dot_general3A_17 {offsets = [0, 128], sizes = [1024, 128], strides = [1, 1]} : vector<1024x256xf32> to vector<1024x128xf32>
    %add3A_30 = arith.addf %get3A_28, %slice3A_29 : vector<1024x128xf32>
    %get3A_31 = arith.constant 0 : index
    %get3A_32 = arith.constant 0 : index
    %get3A_33 = vector.load %arg3[%get3A_31, %get3A_32] : memref<1024x128xf32, #tpu.memory_space<vmem>>, vector<1024x128xf32>
    %slice3A_34 = vector.extract_strided_slice %dot_general3A_22 {offsets = [0, 0], sizes = [1024, 128], strides = [1, 1]} : vector<1024x256xf32> to vector<1024x128xf32>
    %add3A_35 = arith.addf %get3A_33, %slice3A_34 : vector<1024x128xf32>
    %get3A_36 = arith.constant 0 : index
    %get3A_37 = arith.constant 0 : index
    %get3A_38 = vector.load %arg4[%get3A_36, %get3A_37] : memref<1024x128xf32, #tpu.memory_space<vmem>>, vector<1024x128xf32>
    %slice3A_39 = vector.extract_strided_slice %dot_general3A_22 {offsets = [0, 128], sizes = [1024, 128], strides = [1, 1]} : vector<1024x256xf32> to vector<1024x128xf32>
    %add3A_40 = arith.addf %get3A_38, %slice3A_39 : vector<1024x128xf32>
    %get3A_41 = arith.constant 0 : index
    %get3A_42 = arith.constant 0 : index
    %get3A_43 = vector.load %arg10[%get3A_41, %get3A_42] : memref<256x128xf32, #tpu.memory_space<vmem>>, vector<128x128xf32>
    %get3A_44 = arith.constant 128 : index
    %get3A_45 = arith.constant 0 : index
    %get3A_46 = vector.load %arg10[%get3A_44, %get3A_45] : memref<256x128xf32, #tpu.memory_space<vmem>>, vector<128x128xf32>
    %get3A_47 = arith.constant 0 : index
    %get3A_48 = arith.constant 0 : index
    %get3A_49 = vector.load %arg11[%get3A_47, %get3A_48] : memref<1x128xf32, #tpu.memory_space<vmem>>, vector<1x128xf32>
    %dot_general3A_50 = arith.constant dense<0.000000e+00> : vector<1024x128xf32>
    %dot_general3A_51 = tpu.matmul %add3A, %get3A_43, %dot_general3A_50 {dimension_numbers = #tpu.dot_dimension_numbers<[1], [0], [0], [1], [0, 0, 1, 1], [], []>, transpose_lhs_hint = false} : vector<1024x128xf32>, vector<128x128xf32>, vector<1024x128xf32> -> vector<1024x128xf32>
    %dot_general3A_52 = arith.constant dense<0.000000e+00> : vector<1024x128xf32>
    %dot_general3A_53 = tpu.matmul %add3A_40, %get3A_46, %dot_general3A_52 {dimension_numbers = #tpu.dot_dimension_numbers<[1], [0], [0], [1], [0, 0, 1, 1], [], []>, transpose_lhs_hint = false} : vector<1024x128xf32>, vector<128x128xf32>, vector<1024x128xf32> -> vector<1024x128xf32>
    %add3A_54 = arith.addf %dot_general3A_51, %dot_general3A_53 : vector<1024x128xf32>
    %add3A_55 = vector.broadcast %get3A_49 : vector<1x128xf32> to vector<1024x128xf32>
    %add3A_56 = arith.addf %add3A_54, %add3A_55 : vector<1024x128xf32>
    %max3A = arith.constant 0.000000e+00 : f32
    %max3A_57 = vector.broadcast %max3A : f32 to vector<1024x128xf32>
    %max3A_58 = arith.maximumf %add3A_56, %max3A_57 : vector<1024x128xf32>
    %dot_general3A_59 = arith.constant dense<0.000000e+00> : vector<1024x128xf32>
    %dot_general3A_60 = tpu.matmul %add3A_35, %get3A_43, %dot_general3A_59 {dimension_numbers = #tpu.dot_dimension_numbers<[1], [0], [0], [1], [0, 0, 1, 1], [], []>, transpose_lhs_hint = false} : vector<1024x128xf32>, vector<128x128xf32>, vector<1024x128xf32> -> vector<1024x128xf32>
    %dot_general3A_61 = arith.constant dense<0.000000e+00> : vector<1024x128xf32>
    %dot_general3A_62 = tpu.matmul %add3A_30, %get3A_46, %dot_general3A_61 {dimension_numbers = #tpu.dot_dimension_numbers<[1], [0], [0], [1], [0, 0, 1, 1], [], []>, transpose_lhs_hint = false} : vector<1024x128xf32>, vector<128x128xf32>, vector<1024x128xf32> -> vector<1024x128xf32>
    %add3A_63 = arith.addf %dot_general3A_60, %dot_general3A_62 : vector<1024x128xf32>
    %add3A_64 = vector.broadcast %get3A_49 : vector<1x128xf32> to vector<1024x128xf32>
    %add3A_65 = arith.addf %add3A_63, %add3A_64 : vector<1024x128xf32>
    %max3A_66 = arith.constant 0.000000e+00 : f32
    %max3A_67 = vector.broadcast %max3A_66 : f32 to vector<1024x128xf32>
    %max3A_68 = arith.maximumf %add3A_65, %max3A_67 : vector<1024x128xf32>
    %get3A_69 = arith.constant 0 : index
    %get3A_70 = arith.constant 0 : index
    %get3A_71 = vector.load %arg12[%get3A_69, %get3A_70] : memref<1x128xf32, #tpu.memory_space<vmem>>, vector<1x128xf32>
    %dot_general3A_72 = arith.constant dense<0.000000e+00> : vector<1x1024xf32>
    %dot_general3A_73 = tpu.matmul %get3A_71, %max3A_58, %dot_general3A_72 {dimension_numbers = #tpu.dot_dimension_numbers<[1], [1], [0], [0], [0, 0, 1, 0], [], []>, transpose_lhs_hint = false} : vector<1x128xf32>, vector<1024x128xf32>, vector<1x1024xf32> -> vector<1x1024xf32>
    %get3A_74 = arith.constant 0 : index
    %get3A_75 = arith.constant 0 : index
    %get3A_76 = vector.load %arg13[%get3A_74, %get3A_75] : memref<1x1xf32, #tpu.memory_space<vmem>>, vector<1x1xf32>
    %get3A_77 = vector.extract %get3A_76[0, 0] : f32 from vector<1x1xf32>
    %add3A_78 = vector.broadcast %get3A_77 : f32 to vector<1x1024xf32>
    %add3A_79 = arith.addf %dot_general3A_73, %add3A_78 : vector<1x1024xf32>
    %dot_general3A_80 = arith.constant dense<0.000000e+00> : vector<1x1024xf32>
    %dot_general3A_81 = tpu.matmul %get3A_71, %max3A_68, %dot_general3A_80 {dimension_numbers = #tpu.dot_dimension_numbers<[1], [1], [0], [0], [0, 0, 1, 0], [], []>, transpose_lhs_hint = false} : vector<1x128xf32>, vector<1024x128xf32>, vector<1x1024xf32> -> vector<1x1024xf32>
    %get3A_82 = arith.constant 0 : index
    %get3A_83 = arith.constant 0 : index
    %get3A_84 = vector.load %arg13[%get3A_82, %get3A_83] : memref<1x1xf32, #tpu.memory_space<vmem>>, vector<1x1xf32>
    %get3A_85 = vector.extract %get3A_84[0, 0] : f32 from vector<1x1xf32>
    %add3A_86 = vector.broadcast %get3A_85 : f32 to vector<1x1024xf32>
    %add3A_87 = arith.addf %dot_general3A_81, %add3A_86 : vector<1x1024xf32>
    %get3A_88 = arith.constant 0 : index
    %get3A_89 = arith.constant 0 : index
    %get3A_90 = vector.load %arg14[%get3A_88, %get3A_89] : memref<1x1xf32, #tpu.memory_space<vmem>>, vector<1x1xf32>
    %get3A_91 = vector.extract %get3A_90[0, 0] : f32 from vector<1x1xf32>
    %get3A_92 = arith.constant 0 : index
    %get3A_93 = arith.constant 0 : index
    %get3A_94 = vector.load %arg15[%get3A_92, %get3A_93] : memref<1x1xf32, #tpu.memory_space<vmem>>, vector<1x1xf32>
    %get3A_95 = vector.extract %get3A_94[0, 0] : f32 from vector<1x1xf32>
    %get3A_96 = arith.constant 0 : index
    %get3A_97 = arith.constant 0 : index
    %get3A_98 = vector.load %arg16[%get3A_96, %get3A_97] : memref<1x1xf32, #tpu.memory_space<vmem>>, vector<1x1xf32>
    %get3A_99 = vector.extract %get3A_98[0, 0] : f32 from vector<1x1xf32>
    %mul3A = vector.broadcast %get3A_91 : f32 to vector<1x1024xf32>
    %mul3A_100 = arith.mulf %add3A_79, %mul3A : vector<1x1024xf32>
    %add3A_101 = vector.broadcast %get3A_95 : f32 to vector<1x1024xf32>
    %add3A_102 = arith.addf %mul3A_100, %add3A_101 : vector<1x1024xf32>
    %get3A_103 = arith.constant 0 : index
    %get3A_104 = arith.constant 0 : index
    %get3A_105 = vector.load %arg8[%get3A_103, %get3A_104] : memref<1x1024xf32, #tpu.memory_space<vmem>>, vector<1x1024xf32>
    %mul3A_106 = vector.broadcast %get3A_99 : f32 to vector<1x1024xf32>
    %mul3A_107 = arith.mulf %get3A_105, %mul3A_106 : vector<1x1024xf32>
    %add3A_108 = arith.addf %add3A_102, %mul3A_107 : vector<1x1024xf32>
    %swap3A = arith.constant 0 : index
    %swap3A_109 = arith.constant 0 : index
    %swap3A_110 = vector.load %arg17[%swap3A, %swap3A_109] : memref<1x1024xf32, #tpu.memory_space<vmem>>, vector<1x1024xf32>
    tpu.vector_store %arg17[%swap3A, %swap3A_109], %add3A_108 {strides = array<i32>} : memref<1x1024xf32, #tpu.memory_space<vmem>>, vector<1x1024xf32>,
    %mul3A_111 = vector.broadcast %get3A_91 : f32 to vector<1x1024xf32>
    %mul3A_112 = arith.mulf %add3A_87, %mul3A_111 : vector<1x1024xf32>
    %add3A_113 = vector.broadcast %get3A_95 : f32 to vector<1x1024xf32>
    %add3A_114 = arith.addf %mul3A_112, %add3A_113 : vector<1x1024xf32>
    %get3A_115 = arith.constant 0 : index
    %get3A_116 = arith.constant 0 : index
    %get3A_117 = vector.load %arg9[%get3A_115, %get3A_116] : memref<1x1024xf32, #tpu.memory_space<vmem>>, vector<1x1024xf32>
    %mul3A_118 = vector.broadcast %get3A_99 : f32 to vector<1x1024xf32>
    %mul3A_119 = arith.mulf %get3A_117, %mul3A_118 : vector<1x1024xf32>
    %add3A_120 = arith.addf %add3A_114, %mul3A_119 : vector<1x1024xf32>
    %swap3A_121 = arith.constant 0 : index
    %swap3A_122 = arith.constant 0 : index
    %swap3A_123 = vector.load %arg18[%swap3A_121, %swap3A_122] : memref<1x1024xf32, #tpu.memory_space<vmem>>, vector<1x1024xf32>
    tpu.vector_store %arg18[%swap3A_121, %swap3A_122], %add3A_120 {strides = array<i32>} : memref<1x1024xf32, #tpu.memory_space<vmem>>, vector<1x1024xf32>,
    return
  }
  func.func @transform_0(%arg0: i32) -> (i32, i32) {
    %c0_i32 = arith.constant 0 : i32
    %c0_i32_0 = arith.constant 0 : i32
    return %arg0, %c0_i32 : i32, i32
  }
  func.func @transform_1(%arg0: i32) -> (i32, i32) {
    %c0_i32 = arith.constant 0 : i32
    %c0_i32_0 = arith.constant 0 : i32
    return %arg0, %c0_i32 : i32, i32
  }
  func.func @transform_2(%arg0: i32) -> (i32, i32) {
    %c0_i32 = arith.constant 0 : i32
    %c0_i32_0 = arith.constant 0 : i32
    return %arg0, %c0_i32 : i32, i32
  }
  func.func @transform_3(%arg0: i32) -> (i32, i32) {
    %c0_i32 = arith.constant 0 : i32
    %c0_i32_0 = arith.constant 0 : i32
    return %arg0, %c0_i32 : i32, i32
  }
  func.func @transform_4(%arg0: i32) -> (i32, i32) {
    %add3A = arith.constant 0 : i32
    %add3A_0 = arith.addi %arg0, %add3A : i32
    %c0_i32 = arith.constant 0 : i32
    %c0_i32_1 = arith.constant 0 : i32
    return %c0_i32, %add3A_0 : i32, i32
  }
  func.func @transform_5(%arg0: i32) -> (i32, i32) {
    %add3A = arith.constant 0 : i32
    %add3A_0 = arith.addi %arg0, %add3A : i32
    %c0_i32 = arith.constant 0 : i32
    %c0_i32_1 = arith.constant 0 : i32
    return %c0_i32, %add3A_0 : i32, i32
  }
  func.func @transform_6(%arg0: i32) -> (i32, i32) {
    %c0_i32 = arith.constant 0 : i32
    %c0_i32_0 = arith.constant 0 : i32
    %c0_i32_1 = arith.constant 0 : i32
    return %c0_i32, %c0_i32_0 : i32, i32
  }
  func.func @transform_7(%arg0: i32) -> (i32, i32) {
    %add3A = arith.constant 0 : i32
    %add3A_0 = arith.addi %arg0, %add3A : i32
    %c0_i32 = arith.constant 0 : i32
    %c0_i32_1 = arith.constant 0 : i32
    return %c0_i32, %add3A_0 : i32, i32
  }
  func.func @transform_8(%arg0: i32) -> (i32, i32) {
    %add3A = arith.constant 0 : i32
    %add3A_0 = arith.addi %arg0, %add3A : i32
    %c0_i32 = arith.constant 0 : i32
    %c0_i32_1 = arith.constant 0 : i32
    return %c0_i32, %add3A_0 : i32, i32
  }
  func.func @transform_9(%arg0: i32) -> (i32, i32) {
    %c0_i32 = arith.constant 0 : i32
    %c0_i32_0 = arith.constant 0 : i32
    %c0_i32_1 = arith.constant 0 : i32
    return %c0_i32, %c0_i32_0 : i32, i32
  }
  func.func @transform_10(%arg0: i32) -> (i32, i32) {
    %c0_i32 = arith.constant 0 : i32
    %c0_i32_0 = arith.constant 0 : i32
    %c0_i32_1 = arith.constant 0 : i32
    return %c0_i32, %c0_i32_0 : i32, i32
  }
  func.func @transform_11(%arg0: i32) -> (i32, i32) {
    %c0_i32 = arith.constant 0 : i32
    %c0_i32_0 = arith.constant 0 : i32
    %c0_i32_1 = arith.constant 0 : i32
    return %c0_i32, %c0_i32_0 : i32, i32
  }
  func.func @transform_12(%arg0: i32) -> (i32, i32) {
    %c0_i32 = arith.constant 0 : i32
    %c0_i32_0 = arith.constant 0 : i32
    %c0_i32_1 = arith.constant 0 : i32
    return %c0_i32, %c0_i32_0 : i32, i32
  }
  func.func @transform_13(%arg0: i32) -> (i32, i32) {
    %c0_i32 = arith.constant 0 : i32
    %c0_i32_0 = arith.constant 0 : i32
    %c0_i32_1 = arith.constant 0 : i32
    return %c0_i32, %c0_i32_0 : i32, i32
  }
  func.func @transform_14(%arg0: i32) -> (i32, i32) {
    %c0_i32 = arith.constant 0 : i32
    %c0_i32_0 = arith.constant 0 : i32
    %c0_i32_1 = arith.constant 0 : i32
    return %c0_i32, %c0_i32_0 : i32, i32
  }
  func.func @transform_15(%arg0: i32) -> (i32, i32) {
    %c0_i32 = arith.constant 0 : i32
    %c0_i32_0 = arith.constant 0 : i32
    %c0_i32_1 = arith.constant 0 : i32
    return %c0_i32, %c0_i32_0 : i32, i32
  }
  func.func @transform_16(%arg0: i32) -> (i32, i32) {
    %c0_i32 = arith.constant 0 : i32
    %c0_i32_0 = arith.constant 0 : i32
    return %c0_i32, %arg0 : i32, i32
  }
  func.func @transform_17(%arg0: i32) -> (i32, i32) {
    %c0_i32 = arith.constant 0 : i32
    %c0_i32_0 = arith.constant 0 : i32
    return %c0_i32, %arg0 : i32, i32
  }
}

</mosaic_0001>

<sc_bundles>
// kernel: kernel.6.cloned.1.call-start
scs
__scs_entry_jumppad:
0x0: {  	(pc) =	sbr.rel $0x88, $3  }
0x1: {  	(tag) =	ssettag $0x0;
	lr =	simm.s32 $0x1  }
0x2: {  	[smem:$0x3F90] =	sst lr;
	_ =	strace $0xD0000000  }
0x3: {  	_ = 	snop  }
0x4: {  	_ = 	snop  }
0x5: {  	_ = 	snop  }
0x6: {  	_ = 	snop  }
0x7: {  	_ = 	snop  }
__scs_overlays_trampoline_lowered:
0x8: {  	[smem:$0x3F9F] =	sst s0  }
0x9: {  	[smem:$0x3FA0] =	sst s1  }
0xa: {  	[smem:$0x3FA1] =	sst s2  }
0xb: {  	[smem:$0x3FA2] =	sst s3  }
0xc: {  	[smem:$0x3FA3] =	sst s4  }
0xd: {  	[smem:$0x3FA4] =	sst s5  }
0xe: {  	[smem:$0x3FA5] =	sst s6  }
0xf: {  	[smem:$0x3FA6] =	sst s7  }
0x10: {  	[smem:$0x3FA7] =	sst s8  }
0x11: {  	[smem:$0x3FA8] =	sst s9;
	s0 =	simm.s32 @!p0 $0x0  }
0x12: {  	s1 =	sld [smem:$0x3F8E];
	s0 =	simm.s32 @p0 $0x1  }
0x13: {  	[smem:$0x3FA9] =	sst s0;
	s0 =	simm.s32 @!p1 $0x0  }
0x14: {  	s2 =	sld [smem:$0x3F8D];
	s0 =	simm.s32 @p1 $0x1  }
0x15: {  	[smem:$0x3FAA] =	sst s0;
	s0 =	simm.s32 @!p2 $0x0  }
0x16: {  	s3 =	sld [smem:$0x3FDB];
	s0 =	simm.s32 @p2 $0x1  }
0x17: {  	s4 =	simm.s32 $0x1BF5;
	[smem:$0x3FAC] =	sst s0  }
0x18: {  	s0 =	sld [smem:$0x3F8F];
	_ =	swait.ge [sflag:s4], $0x0  }
0x19: {  	s7 =	sld [smem:$0x3F90]  }
0x1a: {  	s8 =	sadd.s32 $0xFFFFE003, lr  }
0x1b: {  	s9 =	sadd.s32 $0xFFFFFEF7, lr;
	s5 =	simm.s32 $0xFFFFFFFF;
	p2 =	slt.u32 s8, $0xFFFFF086  }
0x1c: {  	p1 =	slt.u32 s9, $0xF7A;
	s5 =	simm.s32 @!p2 $0x0  }
0x1d: {  	s5 =	simm.s32 @p1 $0x1;
	p0 =	seq.s32 s7, s2  }
0x1e: {  	s7 =	smul.u32 @!p0 $0xF7A, s2;
	p2 =	seq.s32 @!p0 s5, $0x0  }
0x1f: {  	s9 =	smul.u32 $0xF7A, s1;
	s8 =	simm.s32 @!p0 $0x1BF5;
	p2 =	por !p2, p0  }
0x20: {  	[sflag:s8] =	ssyncset.s32 @!p0 $0xFFFFF086;
	s6 =	sadd.s32 @!p0 s3, s7;
	s7 =	simm.s32 @!p0 $0x108  }
0x21: {  	s3 =	sadd.s32 s3, s9;
	s6 =	sadd.s32 @!p0 $0x88, s6;
	s7 =	simm.s32 @p2 $0x1082  }
0x22: {  	[simem:s7], [sflag:s8] =	dma.local @!p0 [hbm:s6], $0xF7A  }
0x23: {  	s9 =	sor.u32 $0xD0000000, s2;
	s6 =	simm.s32 $0x108;
	_ =	swait.ge @!p0 [sflag:s8], $0x0  }
0x24: {  	s3 =	sadd.s32 $0x88, s3;
	s6 =	simm.s32 @!p1 $0x1082;
	[sflag:s4] =	ssyncset.s32 $0xFFFFF086  }
0x25: {  	[simem:s6], [sflag:s4] =	dma.local [hbm:s3], $0xF7A  }
0x26: {  	[smem:$0x3F90] =	sst s1;
	(tag) =	ssettag s2;
	_ =	strace s9  }
0x27: {  	s1 =	sld [smem:$0x3FA0]  }
0x28: {  	s2 =	sld [smem:$0x3FA1]  }
0x29: {  	s4 =	sld [smem:$0x3FA3]  }
0x2a: {  	p0 =	seq.s32 s5, $0x0;
	s5 =	sld [smem:$0x3FA4]  }
0x2b: {  	s6 =	sld [smem:$0x3FA5]  }
0x2c: {  	s7 =	sld [smem:$0x3FA6]  }
0x2d: {  	s3 =	simm.s32 $0x108;
	s8 =	sld [smem:$0x3FA7]  }
0x2e: {  	s3 =	simm.s32 @!p0 $0x1082;
	s9 =	sld [smem:$0x3FA8]  }
0x2f: {  	lr =	sadd.s32 s0, s3;
	s0 =	sld [smem:$0x3F9F]  }
0x30: {  	s3 =	sld [smem:$0x3FA2]  }
0x31: {  	[smem:$0x3FAB] =	sst s10  }
0x32: {  	s10 =	sld [smem:$0x3FA9];
	_ =	sdelay $0x3  }
0x33: {  	p0 =	seq.s32 s10, $0x1;
	s10 =	sld [smem:$0x3FAB];
	_ =	sdelay $0x3  }
0x34: {  	[smem:$0x3FAB] =	sst s10  }
0x35: {  	s10 =	sld [smem:$0x3FAA];
	_ =	sdelay $0x3  }
0x36: {  	p1 =	seq.s32 s10, $0x1;
	s10 =	sld [smem:$0x3FAB];
	_ =	sdelay $0x3  }
0x37: {  	[smem:$0x3FAB] =	sst s10  }
0x38: {  	s10 =	sld [smem:$0x3FAC]  }
0x39: {  	_ = 	snop;
	(pc) =	sbr.ind lr, $3  }
0x3a: {  	_ = 	snop  }
0x3b: {  	_ = 	snop  }
0x3c: {  	p2 =	seq.s32 s10, $0x1;
	s10 =	sld [smem:$0x3FAB]  }
0x3d: {  	_ =	shalt  }
0x3e: {  	_ =	shalt  }
0x3f: {  	_ =	shalt  }
0x40: {  	_ =	shalt  }
0x41: {  	_ =	shalt  }
0x42: {  	_ =	shalt  }
0x43: {  	_ =	shalt  }
0x44: {  	_ =	shalt  }
0x45: {  	_ =	shalt  }
0x46: {  	_ =	shalt  }
0x47: {  	_ =	shalt  }
0x48: {  	_ =	shalt  }
0x49: {  	_ =	shalt  }
0x4a: {  	_ =	shalt  }
0x4b: {  	_ =	shalt  }
0x4c: {  	_ =	shalt  }
0x4d: {  	_ =	shalt  }
0x4e: {  	_ =	shalt  }
0x4f: {  	_ =	shalt  }
0x50: {  	_ =	shalt  }
0x51: {  	_ =	shalt  }
0x52: {  	_ =	shalt  }
0x53: {  	_ =	shalt  }
0x54: {  	_ =	shalt  }
0x55: {  	_ =	shalt  }
0x56: {  	_ =	shalt  }
0x57: {  	_ =	shalt  }
0x58: {  	_ =	shalt  }
0x59: {  	_ =	shalt  }
0x5a: {  	_ =	shalt  }
0x5b: {  	_ =	shalt  }
0x5c: {  	_ =	shalt  }
0x5d: {  	_ =	shalt  }
0x5e: {  	_ =	shalt  }
0x5f: {  	_ =	shalt  }
0x60: {  	_ =	shalt  }
0x61: {  	_ =	shalt  }
0x62: {  	_ =	shalt  }
0x63: {  	_ =	shalt  }
0x64: {  	_ =	shalt  }
0x65: {  	_ =	shalt  }
0x66: {  	_ =	shalt  }
0x67: {  	_ =	shalt  }
0x68: {  	_ =	shalt  }
0x69: {  	_ =	shalt  }
0x6a: {  	_ =	shalt  }
0x6b: {  	_ =	shalt  }
0x6c: {  	_ =	shalt  }
0x6d: {  	_ =	shalt  }
0x6e: {  	_ =	shalt  }
0x6f: {  	_ =	shalt  }
0x70: {  	_ =	shalt  }
0x71: {  	_ =	shalt  }
0x72: {  	_ =	shalt  }
0x73: {  	_ =	shalt  }
0x74: {  	_ =	shalt  }
0x75: {  	_ =	shalt  }
0x76: {  	_ =	shalt  }
0x77: {  	_ =	shalt  }
0x78: {  	_ =	shalt  }
0x79: {  	_ =	shalt  }
0x7a: {  	_ =	shalt  }
0x7b: {  	_ =	shalt  }
0x7c: {  	_ =	shalt  }
0x7d: {  	_ =	shalt  }
0x7e: {  	_ =	shalt  }
0x7f: {  	_ =	shalt  }
0x80: {  	_ =	shalt  }
0x81: {  	_ =	shalt  }
0x82: {  	_ =	shalt  }
0x83: {  	_ =	shalt  }
0x84: {  	_ =	shalt  }
0x85: {  	_ =	shalt  }
0x86: {  	_ =	shalt  }
0x87: {  	_ =	shalt  }
.Lfunc_end0:
.L_simem_size_0:
called_computation_lowered:
.L_overlay_start_0:
0x88: {  	s2 =	sld [smem:$0x3FD9]  }
0x89: {  	s3 =	sld [smem:$0x3FFE];
	_ =	sdelay $0x1  }
0x8a: {  	s1 =	srdreg.scid  }
0x8b: {  	s0 =	sand.u32 $0x1, s1  }
0x8c: {  	s17 =	sshll.u32 s0, $0xA;
	s2 =	sadd.s32 s3, s2  }
0x8d: {  	s2 =	sadd.s32 s2, s17  }
0x8e: {  	[smem:$0x3FB7] =	sst s2  }
0x8f: {  	_ = 	snop  }
0x90: {  	s18 =	sld [smem:$0x3FC9]  }
0x91: {  	s4 =	sld [smem:$0x3FC8]  }
0x92: {  	s5 =	sld [smem:$0x3FC5]  }
0x93: {  	s6 =	sld [smem:$0x3FC4];
	(tm) =	ssettm $0x1  }
0x94: {  	s19 =	sld [smem:$0x3FFB];
	_ =	sdelay $0x3  }
0x95: {  	_ =	strace s19  }
0x96: {  	s2 =	sld [smem:$0x3FFC];
	_ =	sdelay $0x3  }
0x97: {  	_ =	strace s2  }
0x98: {  	s2 =	sld [smem:$0x3FFD];
	_ =	sdelay $0x3  }
0x99: {  	_ =	strace s2  }
0x9a: {  	_ =	strace $0x8FFFFFFF  }
0x9b: {  	s20 =	sld [smem:$0x3FDB];
	_ =	sdelay $0x1  }
0x9c: {  	s7 =	simm.s32 $_scs_section_size  }
0x9d: {  	s8 =	simm.s32 $_size__tile_overlayer_lowered;
	s9 =	simm.s32 $_tile_overlayer_lowered  }
0x9e: {  	s10 =	simm.s32 $0x1BFF;
	s21 =	sshll.u32 s9, $0x1;
	s7 =	sadd.s32 s7, s20  }
0x9f: {  	s22 =	simm.s32 $0x0;
	s8 =	sshll.u32 s8, $0x1;
	s9 =	sadd.s32 s21, s7  }
0xa0: {  	[timem:s22], [sflag:s10] =	dma.local [hbm:s9], s8  }
0xa1: {  	_ =	swait.ge [sflag:s10], s8  }
0xa2: {  	s8 =	ssub.s32 $0x0, s8;
	[sflag:s10] =	ssyncset.done $0x0  }
0xa3: {  	[sflag:s10] =	ssyncadd.s32 s8;
	_ =	sdelay $0x1  }
0xa4: {  	s23 =	simm.s32 $0x1B8B  }
0xa5: {  	_ =	swait.ge [sflag:s23], $0x1  }
0xa6: {  	[sflag:s23] =	ssyncset.done $0x0  }
0xa7: {  	[sflag:s23] =	ssyncadd.s32 $0xFFFFFFFF  }
0xa8: {  	s8 =	sld [smem:$0x0]  }
0xa9: {  	s9 =	sand.u32 $0xFFFFFFFE, s1  }
0xaa: {  	p0 =	sne.s32 s1, s9  }
0xab: {  	s9 =	sshll.u32 @p0 s9, $0xE  }
0xac: {  	s9 =	sadd.s32 @p0 $0x11B8D, s9;
	s10 =	sshll.u32 @p0 s8, $0x11  }
0xad: {  	s9 =	sor.u32 @p0 s10, s9  }
0xae: {  	[sflag:s9] =	ssyncadd.remote.s32 @p0 $0x1;
	_ =	sdelay $0x1  }
0xaf: {  	s9 =	simm.s32 @p0 $0x1B8D  }
0xb0: {  	_ =	swait.eq @p0 [sflag:s9], $0x1  }
0xb1: {  	[sflag:s9] =	ssyncadd.s32 @p0 $0xFFFFFFFF  }
0xb2: {  	s10 =	sshll.u32 @!p0 s1, $0xE  }
0xb3: {  	s10 =	sor.u32 @!p0 $0x4000, s10;
	s9 =	simm.s32 @!p0 $0x1B8D  }
0xb4: {  	s8 =	sshll.u32 @!p0 s8, $0x11;
	s10 =	sadd.s32 @!p0 $0x11B8D, s10;
	_ =	swait.eq @!p0 [sflag:s9], $0x1  }
0xb5: {  	s8 =	sor.u32 @!p0 s8, s10;
	[sflag:s9] =	ssyncadd.s32 @!p0 $0xFFFFFFFF  }
0xb6: {  	s25 =	simm.s32 $0x1B8E;
	s24 =	sld [smem:$0x3FFE];
	[sflag:s8] =	ssyncadd.remote.s32 @!p0 $0x1  }
0xb7: {  	s26 =	simm.s32 $execute0_lowered;
	[smem:$0x3FD2] =	sst s25  }
0xb8: {  	s9 =	sshll.u32 s26, $0x1;
	_ =	strace $0x80000049;
	[dreg:$0x1] =	wrdreg $0xFFFFFFFF  }
0xb9: {  	s28 =	simm.s32 $_size_execute0_lowered;
	s7 =	sadd.s32 s7, s9;
	[dreg:$0x0] =	wrdreg $0x0  }
0xba: {  	s9 =	sshll.u32 s28, $0x1;
	[dreg:$0x2] =	wrdreg s7  }
0xbb: {  	[dreg:$0x3] =	wrdreg s9  }
0xbc: {  	[dreg:$0x4] =	wrdreg $0xC0  }
0xbd: {  	_ =	task [dreg:s22], $0x5FFFF  }
0xbe: {  	[dreg:$0x1] =	wrdreg $0xFFFFFFFF  }
0xbf: {  	[dreg:$0x0] =	wrdreg $0x60  }
0xc0: {  	[dreg:$0x2] =	wrdreg s18  }
0xc1: {  	[dreg:$0x3] =	wrdreg s4  }
0xc2: {  	[dreg:$0x4] =	wrdreg s5  }
0xc3: {  	[dreg:$0x5] =	wrdreg s6  }
0xc4: {  	[dreg:$0x6] =	wrdreg s24  }
0xc5: {  	[dreg:$0x7] =	wrdreg $0x9  }
0xc6: {  	_ =	task.clear_ibuf [dreg:s22], $0x8FFFF;
	_ =	strace $0x90000049  }
0xc7: {  	s29 =	simm.s32 $0x9;
	_ =	strace $0x8000004B  }
0xc8: {  	_ =	swait.ge [sflag:s29], $0x1  }
0xc9: {  	[sflag:s29] =	ssyncadd.s32 $0xFFFFFFFF  }
0xca: {  	_ =	strace $0x9000004B  }
0xcb: {  	_ =	sfence  }
0xcc: {  	s30 =	sld [smem:$0x0];
	_ =	sdelay $0x2  }
0xcd: {  	s31 =	sshll.u32 s1, $0xD;
	s1 =	sshrl.u32 s1, $0x2  }
0xce: {  	s4 =	sand.u32 $0x4000, s31;
	s1 =	sadd.s32 s1, s30  }
0xcf: {  	s0 =	sor.u32 s4, s0;
	s1 =	sshll.u32 s1, $0x11  }
0xd0: {  	s0 =	sor.u32 s1, s0  }
0xd1: {  	s0 =	sadd.s32 $0x8F2B, s0  }
0xd2: {  	[sflag:s0] =	ssyncadd.remote.s32 $0x1  }
0xd3: {  	_ =	sfence.sel $0xFFFF  }
0xd4: {  	[dreg:$0x0] =	wrdreg $0xFFFFFFFF;
	(pc) =	sbr.abs _section_cstart, $3  }
0xd5: {  	[dreg:$0x1] =	wrdreg $0xFFFFFFFF  }
0xd6: {  	_ =	task.clear_ibuf [dreg:s22], $0x2FFFF;
	_ =	strace $0x9FFFFFFF  }
0xd7: {  	(tm) =	ssettm $0x7FFFFFFF  }
tec
execute0_lowered:
.L_overlay_start_1:
0x0: {  	(tag) =	ssettag $0x1  }
0x1: {  	s4 =	rddreg [dreg:$0x0]  }
0x2: {  	s3 =	rddreg [dreg:$0x1]  }
0x3: {  	s0 =	rddreg [dreg:$0x2]  }
0x4: {  	s1 =	rddreg [dreg:$0x3];
	s2 =	srdreg.scid  }
0x5: {  	s11 =	stileid.u32;
	s5 =	rddreg [dreg:$0x4];
	s30 =	simm.s32 $0x1C000  }
0x6: {  	s29 =	simm.s32 $0x1C100;
	s31 =	simm.s32 $0xF;
	s17 =	simm.s32 $0x10000  }
0x7: {  	s15 =	simm.s32 $0x14000;
	s28 =	simm.s32 $0x2;
	s16 =	simm.s32 $0x7  }
0x8: {  	p0 =	por $0x0, $0x0;
	s6 =	sand.u32 $0x1, s2;
	s7 =	sshll.u32 s11, $0x1  }
0x9: {  	s2 =	simm.s32 $0x0;
	s9 =	sadd.s32 $0x83600, s5;
	s20 =	sadd.s32 $0xA3600, s5  }
0xa: {  	s22 =	sadd.s32 $0xC3600, s5;
	s5 =	sadd.s32 $0xE3600, s5;
	s7 =	sor.u32 s6, s7  }
0xb: {  	[smem:$0x7FF] =	sst s2;
	s6 =	ssub.s32 $0x2, s6;
	s8 =	sshll.u32 s7, $0x5  }
0xc: {  	_ =	strace $0x8000004A;
	s19 =	sshll.u32 s7, $0xC;
	s0 =	sadd.s32 s0, s8  }
0xd: {  	s10 =	sshrl.u32 s6, $0x1;
	s18 =	sadd.s32 s1, s8;
	[dreg:$0x6] =	wrdreg s0  }
0xe: {  	s7 =	simm.s32 $0xE;
	s21 =	sadd.s32 s9, s19;
	[dreg:$0x7] =	wrdreg s18  }
0xf: {  	s23 =	sadd.s32 s20, s19;
	s24 =	sadd.s32 s22, s19;
	[dreg:$0x8] =	wrdreg s21  }
0x10: {  	s25 =	sadd.s32 s5, s19;
	s1 =	sor.u32 $0x800, s19;
	[dreg:$0x9] =	wrdreg s23  }
0x11: {  	s6 =	ssub.s32 s6, s10;
	s19 =	simm.s32 $0x6;
	[dreg:$0xa] =	wrdreg s24  }
0x12: {  	s10 =	simm.s32 $0xB;
	s8 =	simm.s32 $0xD;
	[dreg:$0xb] =	wrdreg s25  }
0x13: {  	s26 =	sadd.s32 s9, s1;
	s9 =	sadd.s32 s20, s1;
	s12 =	sadd.s32 s22, s1  }
0x14: {  	s13 =	sadd.s32 s5, s1;
	s14 =	smax.u32 s6, $0x1;
	s18 =	simm.s32 $0x80  }
0x15: {  	s22 =	simm.s32 $0x8000;
	s21 =	simm.s32 $0x1C080;
	s6 =	simm.s32 $0x1  }
0x16: {  	s24 =	simm.s32 $0x1C180;
	[dreg:$0xc] =	wrdreg s26;
	p1 =	sne.s32 s14, $0x1  }
.Ltmp0:
0x17: {  	s25 =	simm.s32 $0x3;
	[dreg:$0xd] =	wrdreg s9;
	(pc) =	sbr.rel @!p1 .LBB2_5-.Ltmp0, $4  }
0x18: {  	s5 =	simm.s32 $0x8;
	s23 =	simm.s32 $0x4;
	[dreg:$0xe] =	wrdreg s12  }
0x19: {  	s20 =	simm.s32 $0x5;
	[dreg:$0xf] =	wrdreg s13;
	s26 =	simm.s32 $0x4000  }
0x1a: {  	s13 =	simm.s32 $0x18000;
	s1 =	sadd.s32 $0xFFFFFFFF, s14;
	s14 =	simm.s32 $0x9  }
0x1b: {  	s12 =	simm.s32 $0xA;
	s9 =	simm.s32 $0xC;
	s0 =	rddreg [dreg:$0x6]  }
0x1c: {  	[tilespmem:s30], [sflag:$0xF] =	stream.linear.gather [hbm4b:s0+s2], $0x100, $0x38;
	[tilespmem:$0x1C200] =	vst v63  }
0x1d: {  	s11 =	smov.u32 s1;
	s1 =	rddreg [dreg:$0x7]  }
0x1e: {  	[tilespmem:s29], [sflag:$0xF] =	stream.linear.gather [hbm4b:s1+s2], $0x100, $0x38;
	[tilespmem:$0x1C200] =	vst v63  }
0x1f: {  	_ =	swait.ge [sflag:s31], $0x100  }
0x20: {  	[sflag:s31] =	ssyncset.done $0x0  }
0x21: {  	[sflag:s31] =	ssyncadd.s32 $0xFFFFFF00  }
0x22: {  	_ =	swait.ge [sflag:s31], $0x100  }
0x23: {  	[sflag:s31] =	ssyncset.done $0x0  }
0x24: {  	[sflag:s31] =	ssyncadd.s32 $0xFFFFFF00  }
0x25: {  	[tilespmem:s2], [sflag:$0x1] =	stream.indirect.gather [hbm4b:s4+s18], $0x80, s30, s18, $0xb8;
	[tilespmem:$0x1C200] =	vst v63  }
0x26: {  	_ = 	snop  }
0x27: {  	[tilespmem:s26], [sflag:$0x2] =	stream.indirect.gather [hbm4b:s3+s18], $0x80, s30, s18, $0xb8;
	[tilespmem:$0x1C200] =	vst v63  }
0x28: {  	_ = 	snop  }
0x29: {  	[tilespmem:s22], [sflag:$0x3] =	stream.indirect.gather [hbm4b:s4+s18], $0x80, s29, s18, $0xb8;
	[tilespmem:$0x1C200] =	vst v63  }
0x2a: {  	s1 =	simm.s32 $0xC000  }
0x2b: {  	[tilespmem:s1], [sflag:$0x4] =	stream.indirect.gather [hbm4b:s3+s18], $0x80, s29, s18, $0xb8;
	[tilespmem:$0x1C200] =	vst v63  }
0x2c: {  	_ = 	snop  }
0x2d: {  	[tilespmem:s17], [sflag:$0x5] =	stream.indirect.gather [hbm4b:s4+s18], $0x80, s21, s18, $0xb8;
	[tilespmem:$0x1C200] =	vst v63  }
0x2e: {  	_ =	swait.ge [sflag:s6], $0x4000  }
0x2f: {  	[sflag:s6] =	ssyncset.done $0x0  }
0x30: {  	s0 =	rddreg [dreg:$0x8];
	[sflag:s6] =	ssyncadd.s32 $0xFFFFC000  }
0x31: {  	[hbm4b:s0+s2] =	stream.linear.scatter [tilespmem:s2], [sflag:$0x8], $0x4000, $0x38;
	[tilespmem:$0x1C200] =	vst v63  }
0x32: {  	_ = 	snop  }
0x33: {  	[tilespmem:s15], [sflag:$0x6] =	stream.indirect.gather [hbm4b:s3+s18], $0x80, s21, s18, $0xb8;
	[tilespmem:$0x1C200] =	vst v63  }
0x34: {  	_ =	swait.ge [sflag:s28], $0x4000  }
0x35: {  	[sflag:s28] =	ssyncset.done $0x0  }
0x36: {  	s0 =	rddreg [dreg:$0x9];
	[sflag:s28] =	ssyncadd.s32 $0xFFFFC000  }
0x37: {  	[hbm4b:s0+s2] =	stream.linear.scatter [tilespmem:s26], [sflag:$0x9], $0x4000, $0x38;
	[tilespmem:$0x1C200] =	vst v63  }
0x38: {  	_ = 	snop  }
0x39: {  	[tilespmem:s13], [sflag:$0x7] =	stream.indirect.gather [hbm4b:s4+s18], $0x80, s24, s18, $0xb8;
	[tilespmem:$0x1C200] =	vst v63  }
0x3a: {  	_ =	swait.ge [sflag:s25], $0x4000  }
0x3b: {  	[sflag:s25] =	ssyncset.done $0x0  }
0x3c: {  	s0 =	rddreg [dreg:$0xa];
	[sflag:s25] =	ssyncadd.s32 $0xFFFFC000  }
0x3d: {  	[hbm4b:s0+s2] =	stream.linear.scatter [tilespmem:s22], [sflag:$0xA], $0x4000, $0x38;
	[tilespmem:$0x1C200] =	vst v63  }
0x3e: {  	_ =	swait.ge [sflag:s5], $0x4000  }
0x3f: {  	[sflag:s5] =	ssyncset.done $0x0  }
0x40: {  	[sflag:s5] =	ssyncadd.s32 $0xFFFFC000  }
0x41: {  	[tilespmem:s2], [sflag:$0x1] =	stream.indirect.gather [hbm4b:s3+s18], $0x80, s24, s18, $0xb8;
	[tilespmem:$0x1C200] =	vst v63  }
0x42: {  	_ =	swait.ge [sflag:s23], $0x4000  }
0x43: {  	[sflag:s23] =	ssyncset.done $0x0  }
0x44: {  	s0 =	rddreg [dreg:$0xb];
	[sflag:s23] =	ssyncadd.s32 $0xFFFFC000  }
0x45: {  	[hbm4b:s0+s2] =	stream.linear.scatter [tilespmem:s1], [sflag:$0xB], $0x4000, $0x38;
	[tilespmem:$0x1C200] =	vst v63  }
0x46: {  	_ =	swait.ge [sflag:s20], $0x4000  }
0x47: {  	[sflag:s20] =	ssyncset.done $0x0  }
0x48: {  	s1 =	rddreg [dreg:$0xc];
	[sflag:s20] =	ssyncadd.s32 $0xFFFFC000  }
0x49: {  	[hbm4b:s1+s2] =	stream.linear.scatter [tilespmem:s17], [sflag:$0xC], $0x4000, $0x38;
	[tilespmem:$0x1C200] =	vst v63  }
0x4a: {  	_ =	swait.ge [sflag:s19], $0x4000  }
0x4b: {  	[sflag:s19] =	ssyncset.done $0x0  }
0x4c: {  	s1 =	rddreg [dreg:$0xd];
	[sflag:s19] =	ssyncadd.s32 $0xFFFFC000  }
0x4d: {  	[hbm4b:s1+s2] =	stream.linear.scatter [tilespmem:s15], [sflag:$0xD], $0x4000, $0x38;
	[tilespmem:$0x1C200] =	vst v63  }
0x4e: {  	_ =	swait.ge [sflag:s16], $0x4000  }
0x4f: {  	[sflag:s16] =	ssyncset.done $0x0  }
0x50: {  	s1 =	rddreg [dreg:$0xe];
	[sflag:s16] =	ssyncadd.s32 $0xFFFFC000  }
0x51: {  	[hbm4b:s1+s2] =	stream.linear.scatter [tilespmem:s13], [sflag:$0xE], $0x4000, $0x38;
	[tilespmem:$0x1C200] =	vst v63  }
0x52: {  	_ =	swait.ge [sflag:s6], $0x4000  }
0x53: {  	[sflag:s6] =	ssyncset.done $0x0  }
0x54: {  	s1 =	rddreg [dreg:$0xf];
	[sflag:s6] =	ssyncadd.s32 $0xFFFFC000  }
0x55: {  	[hbm4b:s1+s2] =	stream.linear.scatter [tilespmem:s2], [sflag:$0x8], $0x4000, $0x38;
	[tilespmem:$0x1C200] =	vst v63  }
0x56: {  	_ =	swait.ge [sflag:s14], $0x4000  }
0x57: {  	[sflag:s14] =	ssyncset.done $0x0  }
0x58: {  	[sflag:s14] =	ssyncadd.s32 $0xFFFFC000  }
0x59: {  	_ =	swait.ge [sflag:s12], $0x4000  }
0x5a: {  	[sflag:s12] =	ssyncset.done $0x0  }
0x5b: {  	[sflag:s12] =	ssyncadd.s32 $0xFFFFC000  }
0x5c: {  	_ =	swait.ge [sflag:s10], $0x4000  }
0x5d: {  	[sflag:s10] =	ssyncset.done $0x0  }
0x5e: {  	[sflag:s10] =	ssyncadd.s32 $0xFFFFC000  }
0x5f: {  	_ =	swait.ge [sflag:s9], $0x4000  }
0x60: {  	[sflag:s9] =	ssyncset.done $0x0  }
0x61: {  	[sflag:s9] =	ssyncadd.s32 $0xFFFFC000  }
0x62: {  	_ =	swait.ge [sflag:s8], $0x4000  }
0x63: {  	[sflag:s8] =	ssyncset.done $0x0  }
0x64: {  	p1 =	sne.s32 s11, $0x1;
	[sflag:s8] =	ssyncadd.s32 $0xFFFFC000  }
.Ltmp1:
0x65: {  	_ =	swait.ge [sflag:s7], $0x4000;
	(pc) =	sbr.rel @!p1 .LBB2_2-.Ltmp1, $4  }
0x66: {  	[sflag:s7] =	ssyncset.done $0x0  }
0x67: {  	[sflag:s7] =	ssyncadd.s32 $0xFFFFC000  }
0x68: {  	p0 =	por $0x1, $0x1;
	_ =	swait.ge [sflag:s5], $0x4000  }
0x69: {  	s1 =	sadd.s32 $0xFFFFFFFF, s11;
	s0 =	rddreg [dreg:$0x6];
	[sflag:s5] =	ssyncset.done $0x0  }
.LBB2_3:
0x6a: {  	[sflag:s5] =	ssyncadd.s32 $0xFFFFC000  }
0x6b: {  	[tilespmem:s30], [sflag:$0xF] =	stream.linear.gather [hbm4b:s0+s2], $0x100, $0x38;
	[tilespmem:$0x1C200] =	vst v63  }
0x6c: {  	s11 =	rddreg [dreg:$0x7]  }
0x6d: {  	[tilespmem:s29], [sflag:$0xF] =	stream.linear.gather [hbm4b:s11+s2], $0x100, $0x38;
	[tilespmem:$0x1C200] =	vst v63  }
0x6e: {  	_ =	swait.ge [sflag:s31], $0x100  }
0x6f: {  	[sflag:s31] =	ssyncset.done $0x0  }
0x70: {  	[sflag:s31] =	ssyncadd.s32 $0xFFFFFF00  }
0x71: {  	_ =	swait.ge [sflag:s31], $0x100  }
0x72: {  	[sflag:s31] =	ssyncset.done $0x0  }
0x73: {  	[sflag:s31] =	ssyncadd.s32 $0xFFFFFF00  }
0x74: {  	[tilespmem:s2], [sflag:$0x1] =	stream.indirect.gather [hbm4b:s4+s18], $0x80, s30, s18, $0xb8;
	[tilespmem:$0x1C200] =	vst v63  }
0x75: {  	_ = 	snop  }
0x76: {  	[tilespmem:s26], [sflag:$0x2] =	stream.indirect.gather [hbm4b:s3+s18], $0x80, s30, s18, $0xb8;
	[tilespmem:$0x1C200] =	vst v63  }
0x77: {  	_ = 	snop  }
0x78: {  	[tilespmem:s22], [sflag:$0x3] =	stream.indirect.gather [hbm4b:s4+s18], $0x80, s29, s18, $0xb8;
	[tilespmem:$0x1C200] =	vst v63  }
0x79: {  	s11 =	simm.s32 $0xC000  }
0x7a: {  	[tilespmem:s11], [sflag:$0x4] =	stream.indirect.gather [hbm4b:s3+s18], $0x80, s29, s18, $0xb8;
	[tilespmem:$0x1C200] =	vst v63  }
0x7b: {  	_ = 	snop  }
0x7c: {  	[tilespmem:s17], [sflag:$0x5] =	stream.indirect.gather [hbm4b:s4+s18], $0x80, s21, s18, $0xb8;
	[tilespmem:$0x1C200] =	vst v63  }
0x7d: {  	_ =	swait.ge [sflag:s6], $0x4000  }
0x7e: {  	[sflag:s6] =	ssyncset.done $0x0  }
0x7f: {  	s0 =	rddreg [dreg:$0x8];
	[sflag:s6] =	ssyncadd.s32 $0xFFFFC000  }
0x80: {  	[hbm4b:s0+s2] =	stream.linear.scatter [tilespmem:s2], [sflag:$0x8], $0x4000, $0x38;
	[tilespmem:$0x1C200] =	vst v63  }
0x81: {  	_ = 	snop  }
0x82: {  	[tilespmem:s15], [sflag:$0x6] =	stream.indirect.gather [hbm4b:s3+s18], $0x80, s21, s18, $0xb8;
	[tilespmem:$0x1C200] =	vst v63  }
0x83: {  	_ =	swait.ge [sflag:s28], $0x4000  }
0x84: {  	[sflag:s28] =	ssyncset.done $0x0  }
0x85: {  	s0 =	rddreg [dreg:$0x9];
	[sflag:s28] =	ssyncadd.s32 $0xFFFFC000  }
0x86: {  	[hbm4b:s0+s2] =	stream.linear.scatter [tilespmem:s26], [sflag:$0x9], $0x4000, $0x38;
	[tilespmem:$0x1C200] =	vst v63  }
0x87: {  	_ = 	snop  }
0x88: {  	[tilespmem:s13], [sflag:$0x7] =	stream.indirect.gather [hbm4b:s4+s18], $0x80, s24, s18, $0xb8;
	[tilespmem:$0x1C200] =	vst v63  }
0x89: {  	_ =	swait.ge [sflag:s25], $0x4000  }
0x8a: {  	[sflag:s25] =	ssyncset.done $0x0  }
0x8b: {  	s0 =	rddreg [dreg:$0xa];
	[sflag:s25] =	ssyncadd.s32 $0xFFFFC000  }
0x8c: {  	[hbm4b:s0+s2] =	stream.linear.scatter [tilespmem:s22], [sflag:$0xA], $0x4000, $0x38;
	[tilespmem:$0x1C200] =	vst v63  }
0x8d: {  	_ =	swait.ge [sflag:s5], $0x4000  }
0x8e: {  	[sflag:s5] =	ssyncset.done $0x0  }
0x8f: {  	[sflag:s5] =	ssyncadd.s32 $0xFFFFC000  }
0x90: {  	[tilespmem:s2], [sflag:$0x1] =	stream.indirect.gather [hbm4b:s3+s18], $0x80, s24, s18, $0xb8;
	[tilespmem:$0x1C200] =	vst v63  }
0x91: {  	_ =	swait.ge [sflag:s23], $0x4000  }
0x92: {  	[sflag:s23] =	ssyncset.done $0x0  }
0x93: {  	s0 =	rddreg [dreg:$0xb];
	[sflag:s23] =	ssyncadd.s32 $0xFFFFC000  }
0x94: {  	[hbm4b:s0+s2] =	stream.linear.scatter [tilespmem:s11], [sflag:$0xB], $0x4000, $0x38;
	[tilespmem:$0x1C200] =	vst v63  }
0x95: {  	_ =	swait.ge [sflag:s20], $0x4000  }
0x96: {  	[sflag:s20] =	ssyncset.done $0x0  }
0x97: {  	s11 =	rddreg [dreg:$0xc];
	[sflag:s20] =	ssyncadd.s32 $0xFFFFC000  }
0x98: {  	[hbm4b:s11+s2] =	stream.linear.scatter [tilespmem:s17], [sflag:$0xC], $0x4000, $0x38;
	[tilespmem:$0x1C200] =	vst v63  }
0x99: {  	_ =	swait.ge [sflag:s19], $0x4000  }
0x9a: {  	[sflag:s19] =	ssyncset.done $0x0  }
0x9b: {  	s11 =	rddreg [dreg:$0xd];
	[sflag:s19] =	ssyncadd.s32 $0xFFFFC000  }
0x9c: {  	[hbm4b:s11+s2] =	stream.linear.scatter [tilespmem:s15], [sflag:$0xD], $0x4000, $0x38;
	[tilespmem:$0x1C200] =	vst v63  }
0x9d: {  	_ =	swait.ge [sflag:s16], $0x4000  }
0x9e: {  	[sflag:s16] =	ssyncset.done $0x0  }
0x9f: {  	s11 =	rddreg [dreg:$0xe];
	[sflag:s16] =	ssyncadd.s32 $0xFFFFC000  }
0xa0: {  	[hbm4b:s11+s2] =	stream.linear.scatter [tilespmem:s13], [sflag:$0xE], $0x4000, $0x38;
	[tilespmem:$0x1C200] =	vst v63  }
0xa1: {  	_ =	swait.ge [sflag:s6], $0x4000  }
0xa2: {  	[sflag:s6] =	ssyncset.done $0x0  }
0xa3: {  	s11 =	rddreg [dreg:$0xf];
	[sflag:s6] =	ssyncadd.s32 $0xFFFFC000  }
0xa4: {  	[hbm4b:s11+s2] =	stream.linear.scatter [tilespmem:s2], [sflag:$0x8], $0x4000, $0x38;
	[tilespmem:$0x1C200] =	vst v63  }
0xa5: {  	_ =	swait.ge [sflag:s14], $0x4000  }
0xa6: {  	[sflag:s14] =	ssyncset.done $0x0  }
0xa7: {  	[sflag:s14] =	ssyncadd.s32 $0xFFFFC000  }
0xa8: {  	_ =	swait.ge [sflag:s12], $0x4000  }
0xa9: {  	[sflag:s12] =	ssyncset.done $0x0  }
0xaa: {  	[sflag:s12] =	ssyncadd.s32 $0xFFFFC000  }
0xab: {  	_ =	swait.ge [sflag:s10], $0x4000  }
0xac: {  	[sflag:s10] =	ssyncset.done $0x0  }
0xad: {  	[sflag:s10] =	ssyncadd.s32 $0xFFFFC000  }
0xae: {  	_ =	swait.ge [sflag:s9], $0x4000  }
0xaf: {  	[sflag:s9] =	ssyncset.done $0x0  }
0xb0: {  	[sflag:s9] =	ssyncadd.s32 $0xFFFFC000  }
0xb1: {  	_ =	swait.ge [sflag:s8], $0x4000  }
0xb2: {  	[sflag:s8] =	ssyncset.done $0x0  }
0xb3: {  	p1 =	sne.s32 s1, $0x1;
	[sflag:s8] =	ssyncadd.s32 $0xFFFFC000  }
.Ltmp2:
0xb4: {  	_ =	swait.ge [sflag:s7], $0x4000;
	(pc) =	sbr.rel @p1 .LBB2_3-.Ltmp2, $4  }
0xb5: {  	[sflag:s7] =	ssyncset.done $0x0  }
0xb6: {  	[sflag:s7] =	ssyncadd.s32 $0xFFFFC000  }
0xb7: {  	_ =	swait.ge [sflag:s5], $0x4000  }
0xb8: {  	s1 =	sadd.s32 $0xFFFFFFFF, s1;
	s0 =	rddreg [dreg:$0x6];
	[sflag:s5] =	ssyncset.done $0x0  }
0xb9: {  	s11 =	stileid.u32  }
.LBB2_5:
0xba: {  	[sflag:s5] =	ssyncadd.s32 @p0 $0xFFFFC000  }
0xbb: {  	[tilespmem:s30], [sflag:$0xF] =	stream.linear.gather [hbm4b:s0+s2], $0x100, $0x38;
	[tilespmem:$0x1C200] =	vst v63  }
0xbc: {  	s1 =	rddreg [dreg:$0x7]  }
0xbd: {  	[tilespmem:s29], [sflag:$0xF] =	stream.linear.gather [hbm4b:s1+s2], $0x100, $0x38;
	[tilespmem:$0x1C200] =	vst v63  }
0xbe: {  	_ =	swait.ge [sflag:s31], $0x100  }
0xbf: {  	[sflag:s31] =	ssyncset.done $0x0  }
0xc0: {  	[sflag:s31] =	ssyncadd.s32 $0xFFFFFF00  }
0xc1: {  	_ =	swait.ge [sflag:s31], $0x100  }
0xc2: {  	[sflag:s31] =	ssyncset.done $0x0  }
0xc3: {  	[sflag:s31] =	ssyncadd.s32 $0xFFFFFF00  }
0xc4: {  	[tilespmem:s2], [sflag:$0x1] =	stream.indirect.gather [hbm4b:s4+s18], $0x80, s30, s18, $0xb8;
	[tilespmem:$0x1C200] =	vst v63  }
0xc5: {  	s26 =	simm.s32 $0x4000  }
0xc6: {  	[tilespmem:s26], [sflag:$0x2] =	stream.indirect.gather [hbm4b:s3+s18], $0x80, s30, s18, $0xb8;
	[tilespmem:$0x1C200] =	vst v63  }
0xc7: {  	s21 =	simm.s32 $0x8000  }
0xc8: {  	[tilespmem:s21], [sflag:$0x3] =	stream.indirect.gather [hbm4b:s4+s18], $0x80, s29, s18, $0xb8;
	[tilespmem:$0x1C200] =	vst v63  }
0xc9: {  	s17 =	simm.s32 $0xC000  }
0xca: {  	[tilespmem:s17], [sflag:$0x4] =	stream.indirect.gather [hbm4b:s3+s18], $0x80, s29, s18, $0xb8;
	[tilespmem:$0x1C200] =	vst v63  }
0xcb: {  	s15 =	simm.s32 $0x10000;
	s22 =	simm.s32 $0x1C080  }
0xcc: {  	[tilespmem:s15], [sflag:$0x5] =	stream.indirect.gather [hbm4b:s4+s18], $0x80, s22, s18, $0xb8;
	[tilespmem:$0x1C200] =	vst v63  }
0xcd: {  	_ =	swait.ge [sflag:s6], $0x4000  }
0xce: {  	[sflag:s6] =	ssyncset.done $0x0  }
0xcf: {  	s29 =	rddreg [dreg:$0x8];
	[sflag:s6] =	ssyncadd.s32 $0xFFFFC000  }
0xd0: {  	[hbm4b:s29+s2] =	stream.linear.scatter [tilespmem:s2], [sflag:$0x8], $0x4000, $0x38;
	[tilespmem:$0x1C200] =	vst v63  }
0xd1: {  	s13 =	simm.s32 $0x14000  }
0xd2: {  	[tilespmem:s13], [sflag:$0x6] =	stream.indirect.gather [hbm4b:s3+s18], $0x80, s22, s18, $0xb8;
	[tilespmem:$0x1C200] =	vst v63  }
0xd3: {  	_ =	swait.ge [sflag:s28], $0x4000  }
0xd4: {  	[sflag:s28] =	ssyncset.done $0x0  }
0xd5: {  	s30 =	rddreg [dreg:$0x9];
	[sflag:s28] =	ssyncadd.s32 $0xFFFFC000  }
0xd6: {  	[hbm4b:s30+s2] =	stream.linear.scatter [tilespmem:s26], [sflag:$0x9], $0x4000, $0x38;
	[tilespmem:$0x1C200] =	vst v63  }
0xd7: {  	s1 =	simm.s32 $0x18000;
	s31 =	simm.s32 $0x1C180  }
0xd8: {  	[tilespmem:s1], [sflag:$0x7] =	stream.indirect.gather [hbm4b:s4+s18], $0x80, s31, s18, $0xb8;
	[tilespmem:$0x1C200] =	vst v63  }
0xd9: {  	_ =	swait.ge [sflag:s25], $0x4000  }
0xda: {  	[sflag:s25] =	ssyncset.done $0x0  }
0xdb: {  	s24 =	rddreg [dreg:$0xa];
	[sflag:s25] =	ssyncadd.s32 $0xFFFFC000  }
0xdc: {  	[hbm4b:s24+s2] =	stream.linear.scatter [tilespmem:s21], [sflag:$0xA], $0x4000, $0x38;
	[tilespmem:$0x1C200] =	vst v63  }
0xdd: {  	_ =	swait.ge [sflag:s5], $0x4000  }
0xde: {  	[sflag:s5] =	ssyncset.done $0x0  }
0xdf: {  	[sflag:s5] =	ssyncadd.s32 $0xFFFFC000  }
0xe0: {  	[tilespmem:s2], [sflag:$0x1] =	stream.indirect.gather [hbm4b:s3+s18], $0x80, s31, s18, $0xb8;
	[tilespmem:$0x1C200] =	vst v63  }
0xe1: {  	_ =	swait.ge [sflag:s23], $0x4000  }
0xe2: {  	[sflag:s23] =	ssyncset.done $0x0  }
0xe3: {  	s26 =	rddreg [dreg:$0xb];
	[sflag:s23] =	ssyncadd.s32 $0xFFFFC000  }
0xe4: {  	[hbm4b:s26+s2] =	stream.linear.scatter [tilespmem:s17], [sflag:$0xB], $0x4000, $0x38;
	[tilespmem:$0x1C200] =	vst v63  }
0xe5: {  	_ =	swait.ge [sflag:s20], $0x4000  }
0xe6: {  	[sflag:s20] =	ssyncset.done $0x0  }
0xe7: {  	s28 =	rddreg [dreg:$0xc];
	[sflag:s20] =	ssyncadd.s32 $0xFFFFC000  }
0xe8: {  	[hbm4b:s28+s2] =	stream.linear.scatter [tilespmem:s15], [sflag:$0xC], $0x4000, $0x38;
	[tilespmem:$0x1C200] =	vst v63  }
0xe9: {  	_ =	swait.ge [sflag:s19], $0x4000  }
0xea: {  	[sflag:s19] =	ssyncset.done $0x0  }
0xeb: {  	s29 =	rddreg [dreg:$0xd];
	[sflag:s19] =	ssyncadd.s32 $0xFFFFC000  }
0xec: {  	[hbm4b:s29+s2] =	stream.linear.scatter [tilespmem:s13], [sflag:$0xD], $0x4000, $0x38;
	[tilespmem:$0x1C200] =	vst v63  }
0xed: {  	_ =	swait.ge [sflag:s16], $0x4000  }
0xee: {  	[sflag:s16] =	ssyncset.done $0x0  }
0xef: {  	s30 =	rddreg [dreg:$0xe];
	[sflag:s16] =	ssyncadd.s32 $0xFFFFC000  }
0xf0: {  	[hbm4b:s30+s2] =	stream.linear.scatter [tilespmem:s1], [sflag:$0xE], $0x4000, $0x38;
	[tilespmem:$0x1C200] =	vst v63  }
0xf1: {  	_ =	swait.ge [sflag:s6], $0x4000  }
0xf2: {  	[sflag:s6] =	ssyncset.done $0x0  }
0xf3: {  	s31 =	rddreg [dreg:$0xf];
	[sflag:s6] =	ssyncadd.s32 $0xFFFFC000  }
0xf4: {  	[hbm4b:s31+s2] =	stream.linear.scatter [tilespmem:s2], [sflag:$0x8], $0x4000, $0x38;
	[tilespmem:$0x1C200] =	vst v63  }
0xf5: {  	_ =	swait.ge [sflag:s14], $0x4000  }
0xf6: {  	[sflag:s14] =	ssyncset.done $0x0  }
0xf7: {  	[sflag:s14] =	ssyncadd.s32 $0xFFFFC000  }
0xf8: {  	_ =	swait.ge [sflag:s12], $0x4000  }
0xf9: {  	[sflag:s12] =	ssyncset.done $0x0  }
0xfa: {  	[sflag:s12] =	ssyncadd.s32 $0xFFFFC000  }
0xfb: {  	_ =	swait.ge [sflag:s10], $0x4000  }
0xfc: {  	[sflag:s10] =	ssyncset.done $0x0  }
0xfd: {  	[sflag:s10] =	ssyncadd.s32 $0xFFFFC000  }
0xfe: {  	_ =	swait.ge [sflag:s9], $0x4000  }
0xff: {  	[sflag:s9] =	ssyncset.done $0x0  }
0x100: {  	[sflag:s9] =	ssyncadd.s32 $0xFFFFC000  }
0x101: {  	_ =	swait.ge [sflag:s8], $0x4000  }
0x102: {  	[sflag:s8] =	ssyncset.done $0x0  }
0x103: {  	[sflag:s8] =	ssyncadd.s32 $0xFFFFC000  }
0x104: {  	_ =	swait.ge [sflag:s7], $0x4000  }
0x105: {  	[sflag:s7] =	ssyncset.done $0x0  }
0x106: {  	[sflag:s7] =	ssyncadd.s32 $0xFFFFC000  }
0x107: {  	_ =	swait.ge [sflag:s5], $0x4000  }
0x108: {  	[sflag:s5] =	ssyncset.done $0x0  }
0x109: {  	[sflag:s5] =	ssyncadd.s32 $0xFFFFC000  }
0x10a: {  	_ =	sfence.sel $0x180000  }
0x10b: {  	[bflag:$0x0] =	sbarrier.arrive $0xFFFF  }
0x10c: {  	_ =	strace $0x9000004A  }
0x10d: {  	[bflag:$0x2] =	sbarrier.arrive $0xFFFF  }
0x10e: {  	p0 =	sne.s32 s11, $0x0;
	s0 =	rddreg [dreg:$0x5]  }
0x10f: {  	s0 =	sadd.s32 @!p0 $0x100000, s0  }
0x110: {  	[sflag:s0] =	ssyncadd.tile.s32 @!p0 $0x1;
	_ =	shalt  }
.LBB2_2:
.Ltmp3:
0x111: {  	(pc) =	sbr.rel .LBB2_5-.Ltmp3, $2  }
0x112: {  	_ =	sdelay $0x2  }
0x113: {  	s11 =	stileid.u32  }
.Lfunc_end2:
_tile_overlayer_lowered:
.L_overlay_start_2:
0x114: {  	(tag) =	ssettag $0x2  }
0x115: {  	s0 =	rddreg [dreg:$0x0];
	s2 =	stileid.u32  }
0x116: {  	s1 =	rddreg [dreg:$0x1];
	p0 =	sne.s32 s2, $0x0  }
0x117: {  	s3 =	rddreg [dreg:$0x2];
	[bflag:$0x3] =	sbarrier.arrive $0xFFFF;
	s2 =	simm.s32 @!p0 $0x1C10  }
0x118: {  	[timem:s3], [sflag:s2] =	dma.local @!p0 [hbm:s0], s1  }
0x119: {  	s0 =	simm.s32 @!p0 $0x10  }
0x11a: {  	_ =	swait.ge @!p0 [sflag:s0], s1  }
0x11b: {  	s1 =	ssub.s32 @!p0 $0x0, s1;
	[sflag:s0] =	ssyncset.done @!p0 $0x0  }
0x11c: {  	[sflag:s0] =	ssyncadd.s32 @!p0 s1  }
0x11d: {  	[bflag:$0x3] =	sbarrier.arrive $0xFFFF  }
0x11e: {  	_ =	shalt  }

// kernel: kernel.9.cloned.1.call-start
scs
__scs_entry_jumppad:
0x0: {  	(pc) =	sbr.rel $0x88, $3  }
0x1: {  	(tag) =	ssettag $0x0;
	lr =	simm.s32 $0x1  }
0x2: {  	[smem:$0x3F90] =	sst lr;
	_ =	strace $0xD0000000  }
0x3: {  	_ = 	snop  }
0x4: {  	_ = 	snop  }
0x5: {  	_ = 	snop  }
0x6: {  	_ = 	snop  }
0x7: {  	_ = 	snop  }
__scs_overlays_trampoline_lowered:
0x8: {  	[smem:$0x3F9F] =	sst s0  }
0x9: {  	[smem:$0x3FA0] =	sst s1  }
0xa: {  	[smem:$0x3FA1] =	sst s2  }
0xb: {  	[smem:$0x3FA2] =	sst s3  }
0xc: {  	[smem:$0x3FA3] =	sst s4  }
0xd: {  	[smem:$0x3FA4] =	sst s5  }
0xe: {  	[smem:$0x3FA5] =	sst s6  }
0xf: {  	[smem:$0x3FA6] =	sst s7  }
0x10: {  	[smem:$0x3FA7] =	sst s8  }
0x11: {  	[smem:$0x3FA8] =	sst s9;
	s0 =	simm.s32 @!p0 $0x0  }
0x12: {  	s1 =	sld [smem:$0x3F8E];
	s0 =	simm.s32 @p0 $0x1  }
0x13: {  	[smem:$0x3FA9] =	sst s0;
	s0 =	simm.s32 @!p1 $0x0  }
0x14: {  	s2 =	sld [smem:$0x3F8D];
	s0 =	simm.s32 @p1 $0x1  }
0x15: {  	[smem:$0x3FAA] =	sst s0;
	s0 =	simm.s32 @!p2 $0x0  }
0x16: {  	s3 =	sld [smem:$0x3FDB];
	s0 =	simm.s32 @p2 $0x1  }
0x17: {  	s4 =	simm.s32 $0x1BF5;
	[smem:$0x3FAC] =	sst s0  }
0x18: {  	s0 =	sld [smem:$0x3F8F];
	_ =	swait.ge [sflag:s4], $0x0  }
0x19: {  	s7 =	sld [smem:$0x3F90]  }
0x1a: {  	s8 =	sadd.s32 $0xFFFFE003, lr  }
0x1b: {  	s9 =	sadd.s32 $0xFFFFFEF7, lr;
	s5 =	simm.s32 $0xFFFFFFFF;
	p2 =	slt.u32 s8, $0xFFFFF086  }
0x1c: {  	p1 =	slt.u32 s9, $0xF7A;
	s5 =	simm.s32 @!p2 $0x0  }
0x1d: {  	s5 =	simm.s32 @p1 $0x1;
	p0 =	seq.s32 s7, s2  }
0x1e: {  	s7 =	smul.u32 @!p0 $0xF7A, s2;
	p2 =	seq.s32 @!p0 s5, $0x0  }
0x1f: {  	s9 =	smul.u32 $0xF7A, s1;
	s8 =	simm.s32 @!p0 $0x1BF5;
	p2 =	por !p2, p0  }
0x20: {  	[sflag:s8] =	ssyncset.s32 @!p0 $0xFFFFF086;
	s6 =	sadd.s32 @!p0 s3, s7;
	s7 =	simm.s32 @!p0 $0x108  }
0x21: {  	s3 =	sadd.s32 s3, s9;
	s6 =	sadd.s32 @!p0 $0x88, s6;
	s7 =	simm.s32 @p2 $0x1082  }
0x22: {  	[simem:s7], [sflag:s8] =	dma.local @!p0 [hbm:s6], $0xF7A  }
0x23: {  	s9 =	sor.u32 $0xD0000000, s2;
	s6 =	simm.s32 $0x108;
	_ =	swait.ge @!p0 [sflag:s8], $0x0  }
0x24: {  	s3 =	sadd.s32 $0x88, s3;
	s6 =	simm.s32 @!p1 $0x1082;
	[sflag:s4] =	ssyncset.s32 $0xFFFFF086  }
0x25: {  	[simem:s6], [sflag:s4] =	dma.local [hbm:s3], $0xF7A  }
0x26: {  	[smem:$0x3F90] =	sst s1;
	(tag) =	ssettag s2;
	_ =	strace s9  }
0x27: {  	s1 =	sld [smem:$0x3FA0]  }
0x28: {  	s2 =	sld [smem:$0x3FA1]  }
0x29: {  	s4 =	sld [smem:$0x3FA3]  }
0x2a: {  	p0 =	seq.s32 s5, $0x0;
	s5 =	sld [smem:$0x3FA4]  }
0x2b: {  	s6 =	sld [smem:$0x3FA5]  }
0x2c: {  	s7 =	sld [smem:$0x3FA6]  }
0x2d: {  	s3 =	simm.s32 $0x108;
	s8 =	sld [smem:$0x3FA7]  }
0x2e: {  	s3 =	simm.s32 @!p0 $0x1082;
	s9 =	sld [smem:$0x3FA8]  }
0x2f: {  	lr =	sadd.s32 s0, s3;
	s0 =	sld [smem:$0x3F9F]  }
0x30: {  	s3 =	sld [smem:$0x3FA2]  }
0x31: {  	[smem:$0x3FAB] =	sst s10  }
0x32: {  	s10 =	sld [smem:$0x3FA9];
	_ =	sdelay $0x3  }
0x33: {  	p0 =	seq.s32 s10, $0x1;
	s10 =	sld [smem:$0x3FAB];
	_ =	sdelay $0x3  }
0x34: {  	[smem:$0x3FAB] =	sst s10  }
0x35: {  	s10 =	sld [smem:$0x3FAA];
	_ =	sdelay $0x3  }
0x36: {  	p1 =	seq.s32 s10, $0x1;
	s10 =	sld [smem:$0x3FAB];
	_ =	sdelay $0x3  }
0x37: {  	[smem:$0x3FAB] =	sst s10  }
0x38: {  	s10 =	sld [smem:$0x3FAC]  }
0x39: {  	_ = 	snop;
	(pc) =	sbr.ind lr, $3  }
0x3a: {  	_ = 	snop  }
0x3b: {  	_ = 	snop  }
0x3c: {  	p2 =	seq.s32 s10, $0x1;
	s10 =	sld [smem:$0x3FAB]  }
0x3d: {  	_ =	shalt  }
0x3e: {  	_ =	shalt  }
0x3f: {  	_ =	shalt  }
0x40: {  	_ =	shalt  }
0x41: {  	_ =	shalt  }
0x42: {  	_ =	shalt  }
0x43: {  	_ =	shalt  }
0x44: {  	_ =	shalt  }
0x45: {  	_ =	shalt  }
0x46: {  	_ =	shalt  }
0x47: {  	_ =	shalt  }
0x48: {  	_ =	shalt  }
0x49: {  	_ =	shalt  }
0x4a: {  	_ =	shalt  }
0x4b: {  	_ =	shalt  }
0x4c: {  	_ =	shalt  }
0x4d: {  	_ =	shalt  }
0x4e: {  	_ =	shalt  }
0x4f: {  	_ =	shalt  }
0x50: {  	_ =	shalt  }
0x51: {  	_ =	shalt  }
0x52: {  	_ =	shalt  }
0x53: {  	_ =	shalt  }
0x54: {  	_ =	shalt  }
0x55: {  	_ =	shalt  }
0x56: {  	_ =	shalt  }
0x57: {  	_ =	shalt  }
0x58: {  	_ =	shalt  }
0x59: {  	_ =	shalt  }
0x5a: {  	_ =	shalt  }
0x5b: {  	_ =	shalt  }
0x5c: {  	_ =	shalt  }
0x5d: {  	_ =	shalt  }
0x5e: {  	_ =	shalt  }
0x5f: {  	_ =	shalt  }
0x60: {  	_ =	shalt  }
0x61: {  	_ =	shalt  }
0x62: {  	_ =	shalt  }
0x63: {  	_ =	shalt  }
0x64: {  	_ =	shalt  }
0x65: {  	_ =	shalt  }
0x66: {  	_ =	shalt  }
0x67: {  	_ =	shalt  }
0x68: {  	_ =	shalt  }
0x69: {  	_ =	shalt  }
0x6a: {  	_ =	shalt  }
0x6b: {  	_ =	shalt  }
0x6c: {  	_ =	shalt  }
0x6d: {  	_ =	shalt  }
0x6e: {  	_ =	shalt  }
0x6f: {  	_ =	shalt  }
0x70: {  	_ =	shalt  }
0x71: {  	_ =	shalt  }
0x72: {  	_ =	shalt  }
0x73: {  	_ =	shalt  }
0x74: {  	_ =	shalt  }
0x75: {  	_ =	shalt  }
0x76: {  	_ =	shalt  }
0x77: {  	_ =	shalt  }
0x78: {  	_ =	shalt  }
0x79: {  	_ =	shalt  }
0x7a: {  	_ =	shalt  }
0x7b: {  	_ =	shalt  }
0x7c: {  	_ =	shalt  }
0x7d: {  	_ =	shalt  }
0x7e: {  	_ =	shalt  }
0x7f: {  	_ =	shalt  }
0x80: {  	_ =	shalt  }
0x81: {  	_ =	shalt  }
0x82: {  	_ =	shalt  }
0x83: {  	_ =	shalt  }
0x84: {  	_ =	shalt  }
0x85: {  	_ =	shalt  }
0x86: {  	_ =	shalt  }
0x87: {  	_ =	shalt  }
.Lfunc_end0:
.L_simem_size_0:
called_computation.1_lowered:
.L_overlay_start_0:
0x88: {  	s2 =	sld [smem:$0x3FD9]  }
0x89: {  	s3 =	sld [smem:$0x3FFE];
	_ =	sdelay $0x1  }
0x8a: {  	s1 =	srdreg.scid  }
0x8b: {  	s0 =	sand.u32 $0x1, s1  }
0x8c: {  	s17 =	sshll.u32 s0, $0xA;
	s2 =	sadd.s32 s3, s2  }
0x8d: {  	s2 =	sadd.s32 s2, s17  }
0x8e: {  	[smem:$0x3FB7] =	sst s2  }
0x8f: {  	_ = 	snop  }
0x90: {  	s2 =	sld [smem:$0x3FC9]  }
0x91: {  	s18 =	sld [smem:$0x3FC8]  }
0x92: {  	s4 =	sld [smem:$0x3FC5]  }
0x93: {  	s5 =	sld [smem:$0x3FC4];
	(tm) =	ssettm $0x1  }
0x94: {  	s6 =	sld [smem:$0x3FFB];
	_ =	sdelay $0x3  }
0x95: {  	_ =	strace s6  }
0x96: {  	s6 =	sld [smem:$0x3FFC];
	_ =	sdelay $0x3  }
0x97: {  	_ =	strace s6  }
0x98: {  	s6 =	sld [smem:$0x3FFD];
	_ =	sdelay $0x3  }
0x99: {  	_ =	strace s6  }
0x9a: {  	_ =	strace $0x8FFFFFFF  }
0x9b: {  	s19 =	sld [smem:$0x3FDB];
	_ =	sdelay $0x1  }
0x9c: {  	s7 =	simm.s32 $_scs_section_size  }
0x9d: {  	s8 =	simm.s32 $_size__tile_overlayer_lowered;
	s9 =	simm.s32 $_tile_overlayer_lowered  }
0x9e: {  	s22 =	simm.s32 $0x1BFF;
	s21 =	sshll.u32 s9, $0x1;
	s6 =	sadd.s32 s7, s19  }
0x9f: {  	s10 =	simm.s32 $0x0;
	s20 =	sshll.u32 s8, $0x1;
	s8 =	sadd.s32 s21, s6  }
0xa0: {  	[timem:s10], [sflag:s22] =	dma.local [hbm:s8], s20  }
0xa1: {  	_ =	swait.ge [sflag:s22], s20  }
0xa2: {  	s7 =	ssub.s32 $0x0, s20;
	[sflag:s22] =	ssyncset.done $0x0  }
0xa3: {  	[sflag:s22] =	ssyncadd.s32 s7;
	_ =	sdelay $0x1  }
0xa4: {  	s23 =	simm.s32 $0x1B8B  }
0xa5: {  	_ =	swait.ge [sflag:s23], $0x1  }
0xa6: {  	[sflag:s23] =	ssyncset.done $0x0  }
0xa7: {  	s25 =	simm.s32 $0x1B8E;
	s24 =	sld [smem:$0x3FFE];
	[sflag:s23] =	ssyncadd.s32 $0xFFFFFFFF  }
0xa8: {  	s26 =	simm.s32 $execute0_lowered;
	[smem:$0x3FD2] =	sst s25  }
0xa9: {  	s8 =	sshll.u32 s26, $0x1;
	_ =	strace $0x80000046;
	[dreg:$0x1] =	wrdreg $0xFFFFFFFF  }
0xaa: {  	s28 =	simm.s32 $_size_execute0_lowered;
	s6 =	sadd.s32 s6, s8;
	[dreg:$0x0] =	wrdreg $0x0  }
0xab: {  	s8 =	sshll.u32 s28, $0x1;
	[dreg:$0x2] =	wrdreg s6  }
0xac: {  	[dreg:$0x3] =	wrdreg s8  }
0xad: {  	[dreg:$0x4] =	wrdreg $0xC0  }
0xae: {  	_ =	task [dreg:s10], $0x5FFFF  }
0xaf: {  	[dreg:$0x1] =	wrdreg $0xFFFFFFFF  }
0xb0: {  	[dreg:$0x0] =	wrdreg $0x60  }
0xb1: {  	[dreg:$0x2] =	wrdreg s2  }
0xb2: {  	[dreg:$0x3] =	wrdreg s18  }
0xb3: {  	[dreg:$0x4] =	wrdreg s4  }
0xb4: {  	[dreg:$0x5] =	wrdreg s5  }
0xb5: {  	[dreg:$0x6] =	wrdreg s24  }
0xb6: {  	[dreg:$0x7] =	wrdreg $0xA  }
0xb7: {  	_ =	task.clear_ibuf [dreg:s10], $0x8FFFF;
	_ =	strace $0x90000046  }
0xb8: {  	s29 =	simm.s32 $0xA;
	_ =	strace $0x80000048  }
0xb9: {  	_ =	swait.ge [sflag:s29], $0x1  }
0xba: {  	[sflag:s29] =	ssyncadd.s32 $0xFFFFFFFF  }
0xbb: {  	_ =	strace $0x90000048  }
0xbc: {  	_ =	sfence  }
0xbd: {  	s30 =	sld [smem:$0x0];
	_ =	sdelay $0x2  }
0xbe: {  	s31 =	sshll.u32 s1, $0xD;
	s1 =	sshrl.u32 s1, $0x2  }
0xbf: {  	s3 =	sand.u32 $0x4000, s31;
	s1 =	sadd.s32 s1, s30  }
0xc0: {  	s0 =	sor.u32 s3, s0;
	s1 =	sshll.u32 s1, $0x11  }
0xc1: {  	s0 =	sor.u32 s1, s0  }
0xc2: {  	s0 =	sadd.s32 $0x8F2B, s0  }
0xc3: {  	[sflag:s0] =	ssyncadd.remote.s32 $0x1  }
0xc4: {  	_ =	sfence.sel $0xFFFF  }
0xc5: {  	[dreg:$0x0] =	wrdreg $0xFFFFFFFF;
	(pc) =	sbr.abs _section_cstart, $3  }
0xc6: {  	[dreg:$0x1] =	wrdreg $0xFFFFFFFF  }
0xc7: {  	_ =	task.clear_ibuf [dreg:s10], $0x2FFFF;
	_ =	strace $0x9FFFFFFF  }
0xc8: {  	(tm) =	ssettm $0x7FFFFFFF  }
0xc9: {  	_ =	shalt  }
tec
execute0_lowered:
.L_overlay_start_1:
0x0: {  	(tag) =	ssettag $0x1  }
0x1: {  	s4 =	rddreg [dreg:$0x0]  }
0x2: {  	s3 =	rddreg [dreg:$0x1]  }
0x3: {  	s0 =	rddreg [dreg:$0x2];
	s1 =	srdreg.scid  }
0x4: {  	s11 =	stileid.u32;
	s5 =	rddreg [dreg:$0x3]  }
0x5: {  	s6 =	rddreg [dreg:$0x4];
	s30 =	simm.s32 $0x1C000;
	s29 =	simm.s32 $0x1C100  }
0x6: {  	s31 =	simm.s32 $0xF;
	s17 =	simm.s32 $0x10000;
	s15 =	simm.s32 $0x14000  }
0x7: {  	s28 =	simm.s32 $0x2;
	s16 =	simm.s32 $0x7;
	p0 =	por $0x0, $0x0  }
0x8: {  	s1 =	sand.u32 $0x1, s1;
	s2 =	sshll.u32 s11, $0x1;
	s9 =	sadd.s32 $0x3600, s6  }
0x9: {  	s20 =	sadd.s32 $0x23600, s6;
	s22 =	sadd.s32 $0x43600, s6;
	s6 =	sadd.s32 $0x63600, s6  }
0xa: {  	s7 =	sor.u32 s1, s2;
	s2 =	simm.s32 $0x0;
	s1 =	ssub.s32 $0x2, s1  }
0xb: {  	s8 =	sshll.u32 s7, $0x5;
	[smem:$0x7FF] =	sst s2;
	s19 =	sshll.u32 s7, $0xC  }
0xc: {  	s10 =	sshrl.u32 s1, $0x1;
	s7 =	simm.s32 $0xE;
	s8 =	sor.u32 $0x400, s8  }
0xd: {  	_ =	strace $0x80000047;
	s21 =	sadd.s32 s9, s19;
	s23 =	sadd.s32 s20, s19  }
0xe: {  	s24 =	sadd.s32 s22, s19;
	s25 =	sadd.s32 s6, s19;
	[dreg:$0x8] =	wrdreg s21  }
0xf: {  	s1 =	ssub.s32 s1, s10;
	s10 =	simm.s32 $0xB;
	[dreg:$0x9] =	wrdreg s23  }
0x10: {  	s0 =	sadd.s32 s0, s8;
	s18 =	sadd.s32 s5, s8;
	[dreg:$0xa] =	wrdreg s24  }
0x11: {  	s5 =	sor.u32 $0x800, s19;
	[dreg:$0xb] =	wrdreg s25;
	s14 =	smax.u32 s1, $0x1  }
0x12: {  	s21 =	simm.s32 $0x1C080;
	s24 =	simm.s32 $0x1C180;
	s25 =	simm.s32 $0x3  }
0x13: {  	s23 =	simm.s32 $0x4;
	s19 =	simm.s32 $0x6;
	[dreg:$0x6] =	wrdreg s0  }
0x14: {  	s8 =	simm.s32 $0xD;
	[dreg:$0x7] =	wrdreg s18;
	s26 =	sadd.s32 s9, s5  }
0x15: {  	s9 =	sadd.s32 s20, s5;
	s12 =	sadd.s32 s22, s5;
	s13 =	sadd.s32 s6, s5  }
0x16: {  	s18 =	simm.s32 $0x80;
	s22 =	simm.s32 $0x8000;
	p1 =	sne.s32 s14, $0x1  }
.Ltmp0:
0x17: {  	s6 =	simm.s32 $0x1;
	[dreg:$0xc] =	wrdreg s26;
	(pc) =	sbr.rel @!p1 .LBB2_5-.Ltmp0, $4  }
0x18: {  	s5 =	simm.s32 $0x8;
	s20 =	simm.s32 $0x5;
	[dreg:$0xd] =	wrdreg s9  }
0x19: {  	s1 =	sadd.s32 $0xFFFFFFFF, s14;
	s14 =	simm.s32 $0x9;
	[dreg:$0xe] =	wrdreg s12  }
0x1a: {  	[dreg:$0xf] =	wrdreg s13;
	s26 =	simm.s32 $0x4000;
	s13 =	simm.s32 $0x18000  }
0x1b: {  	s12 =	simm.s32 $0xA;
	s9 =	simm.s32 $0xC;
	s0 =	rddreg [dreg:$0x6]  }
0x1c: {  	[tilespmem:s30], [sflag:$0xF] =	stream.linear.gather [hbm4b:s0+s2], $0x100, $0x38;
	[tilespmem:$0x1C200] =	vst v63  }
0x1d: {  	s11 =	smov.u32 s1;
	s1 =	rddreg [dreg:$0x7]  }
0x1e: {  	[tilespmem:s29], [sflag:$0xF] =	stream.linear.gather [hbm4b:s1+s2], $0x100, $0x38;
	[tilespmem:$0x1C200] =	vst v63  }
0x1f: {  	_ =	swait.ge [sflag:s31], $0x100  }
0x20: {  	[sflag:s31] =	ssyncset.done $0x0  }
0x21: {  	[sflag:s31] =	ssyncadd.s32 $0xFFFFFF00  }
0x22: {  	_ =	swait.ge [sflag:s31], $0x100  }
0x23: {  	[sflag:s31] =	ssyncset.done $0x0  }
0x24: {  	[sflag:s31] =	ssyncadd.s32 $0xFFFFFF00  }
0x25: {  	[tilespmem:s2], [sflag:$0x1] =	stream.indirect.gather [hbm4b:s4+s18], $0x80, s30, s18, $0xb8;
	[tilespmem:$0x1C200] =	vst v63  }
0x26: {  	_ = 	snop  }
0x27: {  	[tilespmem:s26], [sflag:$0x2] =	stream.indirect.gather [hbm4b:s3+s18], $0x80, s30, s18, $0xb8;
	[tilespmem:$0x1C200] =	vst v63  }
0x28: {  	_ = 	snop  }
0x29: {  	[tilespmem:s22], [sflag:$0x3] =	stream.indirect.gather [hbm4b:s4+s18], $0x80, s29, s18, $0xb8;
	[tilespmem:$0x1C200] =	vst v63  }
0x2a: {  	s1 =	simm.s32 $0xC000  }
0x2b: {  	[tilespmem:s1], [sflag:$0x4] =	stream.indirect.gather [hbm4b:s3+s18], $0x80, s29, s18, $0xb8;
	[tilespmem:$0x1C200] =	vst v63  }
0x2c: {  	_ = 	snop  }
0x2d: {  	[tilespmem:s17], [sflag:$0x5] =	stream.indirect.gather [hbm4b:s4+s18], $0x80, s21, s18, $0xb8;
	[tilespmem:$0x1C200] =	vst v63  }
0x2e: {  	_ =	swait.ge [sflag:s6], $0x4000  }
0x2f: {  	[sflag:s6] =	ssyncset.done $0x0  }
0x30: {  	s0 =	rddreg [dreg:$0x8];
	[sflag:s6] =	ssyncadd.s32 $0xFFFFC000  }
0x31: {  	[hbm4b:s0+s2] =	stream.linear.scatter [tilespmem:s2], [sflag:$0x8], $0x4000, $0x38;
	[tilespmem:$0x1C200] =	vst v63  }
0x32: {  	_ = 	snop  }
0x33: {  	[tilespmem:s15], [sflag:$0x6] =	stream.indirect.gather [hbm4b:s3+s18], $0x80, s21, s18, $0xb8;
	[tilespmem:$0x1C200] =	vst v63  }
0x34: {  	_ =	swait.ge [sflag:s28], $0x4000  }
0x35: {  	[sflag:s28] =	ssyncset.done $0x0  }
0x36: {  	s0 =	rddreg [dreg:$0x9];
	[sflag:s28] =	ssyncadd.s32 $0xFFFFC000  }
0x37: {  	[hbm4b:s0+s2] =	stream.linear.scatter [tilespmem:s26], [sflag:$0x9], $0x4000, $0x38;
	[tilespmem:$0x1C200] =	vst v63  }
0x38: {  	_ = 	snop  }
0x39: {  	[tilespmem:s13], [sflag:$0x7] =	stream.indirect.gather [hbm4b:s4+s18], $0x80, s24, s18, $0xb8;
	[tilespmem:$0x1C200] =	vst v63  }
0x3a: {  	_ =	swait.ge [sflag:s25], $0x4000  }
0x3b: {  	[sflag:s25] =	ssyncset.done $0x0  }
0x3c: {  	s0 =	rddreg [dreg:$0xa];
	[sflag:s25] =	ssyncadd.s32 $0xFFFFC000  }
0x3d: {  	[hbm4b:s0+s2] =	stream.linear.scatter [tilespmem:s22], [sflag:$0xA], $0x4000, $0x38;
	[tilespmem:$0x1C200] =	vst v63  }
0x3e: {  	_ =	swait.ge [sflag:s5], $0x4000  }
0x3f: {  	[sflag:s5] =	ssyncset.done $0x0  }
0x40: {  	[sflag:s5] =	ssyncadd.s32 $0xFFFFC000  }
0x41: {  	[tilespmem:s2], [sflag:$0x1] =	stream.indirect.gather [hbm4b:s3+s18], $0x80, s24, s18, $0xb8;
	[tilespmem:$0x1C200] =	vst v63  }
0x42: {  	_ =	swait.ge [sflag:s23], $0x4000  }
0x43: {  	[sflag:s23] =	ssyncset.done $0x0  }
0x44: {  	s0 =	rddreg [dreg:$0xb];
	[sflag:s23] =	ssyncadd.s32 $0xFFFFC000  }
0x45: {  	[hbm4b:s0+s2] =	stream.linear.scatter [tilespmem:s1], [sflag:$0xB], $0x4000, $0x38;
	[tilespmem:$0x1C200] =	vst v63  }
0x46: {  	_ =	swait.ge [sflag:s20], $0x4000  }
0x47: {  	[sflag:s20] =	ssyncset.done $0x0  }
0x48: {  	s1 =	rddreg [dreg:$0xc];
	[sflag:s20] =	ssyncadd.s32 $0xFFFFC000  }
0x49: {  	[hbm4b:s1+s2] =	stream.linear.scatter [tilespmem:s17], [sflag:$0xC], $0x4000, $0x38;
	[tilespmem:$0x1C200] =	vst v63  }
0x4a: {  	_ =	swait.ge [sflag:s19], $0x4000  }
0x4b: {  	[sflag:s19] =	ssyncset.done $0x0  }
0x4c: {  	s1 =	rddreg [dreg:$0xd];
	[sflag:s19] =	ssyncadd.s32 $0xFFFFC000  }
0x4d: {  	[hbm4b:s1+s2] =	stream.linear.scatter [tilespmem:s15], [sflag:$0xD], $0x4000, $0x38;
	[tilespmem:$0x1C200] =	vst v63  }
0x4e: {  	_ =	swait.ge [sflag:s16], $0x4000  }
0x4f: {  	[sflag:s16] =	ssyncset.done $0x0  }
0x50: {  	s1 =	rddreg [dreg:$0xe];
	[sflag:s16] =	ssyncadd.s32 $0xFFFFC000  }
0x51: {  	[hbm4b:s1+s2] =	stream.linear.scatter [tilespmem:s13], [sflag:$0xE], $0x4000, $0x38;
	[tilespmem:$0x1C200] =	vst v63  }
0x52: {  	_ =	swait.ge [sflag:s6], $0x4000  }
0x53: {  	[sflag:s6] =	ssyncset.done $0x0  }
0x54: {  	s1 =	rddreg [dreg:$0xf];
	[sflag:s6] =	ssyncadd.s32 $0xFFFFC000  }
0x55: {  	[hbm4b:s1+s2] =	stream.linear.scatter [tilespmem:s2], [sflag:$0x8], $0x4000, $0x38;
	[tilespmem:$0x1C200] =	vst v63  }
0x56: {  	_ =	swait.ge [sflag:s14], $0x4000  }
0x57: {  	[sflag:s14] =	ssyncset.done $0x0  }
0x58: {  	[sflag:s14] =	ssyncadd.s32 $0xFFFFC000  }
0x59: {  	_ =	swait.ge [sflag:s12], $0x4000  }
0x5a: {  	[sflag:s12] =	ssyncset.done $0x0  }
0x5b: {  	[sflag:s12] =	ssyncadd.s32 $0xFFFFC000  }
0x5c: {  	_ =	swait.ge [sflag:s10], $0x4000  }
0x5d: {  	[sflag:s10] =	ssyncset.done $0x0  }
0x5e: {  	[sflag:s10] =	ssyncadd.s32 $0xFFFFC000  }
0x5f: {  	_ =	swait.ge [sflag:s9], $0x4000  }
0x60: {  	[sflag:s9] =	ssyncset.done $0x0  }
0x61: {  	[sflag:s9] =	ssyncadd.s32 $0xFFFFC000  }
0x62: {  	_ =	swait.ge [sflag:s8], $0x4000  }
0x63: {  	[sflag:s8] =	ssyncset.done $0x0  }
0x64: {  	p1 =	sne.s32 s11, $0x1;
	[sflag:s8] =	ssyncadd.s32 $0xFFFFC000  }
.Ltmp1:
0x65: {  	_ =	swait.ge [sflag:s7], $0x4000;
	(pc) =	sbr.rel @!p1 .LBB2_2-.Ltmp1, $4  }
0x66: {  	[sflag:s7] =	ssyncset.done $0x0  }
0x67: {  	[sflag:s7] =	ssyncadd.s32 $0xFFFFC000  }
0x68: {  	p0 =	por $0x1, $0x1;
	_ =	swait.ge [sflag:s5], $0x4000  }
0x69: {  	s1 =	sadd.s32 $0xFFFFFFFF, s11;
	s0 =	rddreg [dreg:$0x6];
	[sflag:s5] =	ssyncset.done $0x0  }
.LBB2_3:
0x6a: {  	[sflag:s5] =	ssyncadd.s32 $0xFFFFC000  }
0x6b: {  	[tilespmem:s30], [sflag:$0xF] =	stream.linear.gather [hbm4b:s0+s2], $0x100, $0x38;
	[tilespmem:$0x1C200] =	vst v63  }
0x6c: {  	s11 =	rddreg [dreg:$0x7]  }
0x6d: {  	[tilespmem:s29], [sflag:$0xF] =	stream.linear.gather [hbm4b:s11+s2], $0x100, $0x38;
	[tilespmem:$0x1C200] =	vst v63  }
0x6e: {  	_ =	swait.ge [sflag:s31], $0x100  }
0x6f: {  	[sflag:s31] =	ssyncset.done $0x0  }
0x70: {  	[sflag:s31] =	ssyncadd.s32 $0xFFFFFF00  }
0x71: {  	_ =	swait.ge [sflag:s31], $0x100  }
0x72: {  	[sflag:s31] =	ssyncset.done $0x0  }
0x73: {  	[sflag:s31] =	ssyncadd.s32 $0xFFFFFF00  }
0x74: {  	[tilespmem:s2], [sflag:$0x1] =	stream.indirect.gather [hbm4b:s4+s18], $0x80, s30, s18, $0xb8;
	[tilespmem:$0x1C200] =	vst v63  }
0x75: {  	_ = 	snop  }
0x76: {  	[tilespmem:s26], [sflag:$0x2] =	stream.indirect.gather [hbm4b:s3+s18], $0x80, s30, s18, $0xb8;
	[tilespmem:$0x1C200] =	vst v63  }
0x77: {  	_ = 	snop  }
0x78: {  	[tilespmem:s22], [sflag:$0x3] =	stream.indirect.gather [hbm4b:s4+s18], $0x80, s29, s18, $0xb8;
	[tilespmem:$0x1C200] =	vst v63  }
0x79: {  	s11 =	simm.s32 $0xC000  }
0x7a: {  	[tilespmem:s11], [sflag:$0x4] =	stream.indirect.gather [hbm4b:s3+s18], $0x80, s29, s18, $0xb8;
	[tilespmem:$0x1C200] =	vst v63  }
0x7b: {  	_ = 	snop  }
0x7c: {  	[tilespmem:s17], [sflag:$0x5] =	stream.indirect.gather [hbm4b:s4+s18], $0x80, s21, s18, $0xb8;
	[tilespmem:$0x1C200] =	vst v63  }
0x7d: {  	_ =	swait.ge [sflag:s6], $0x4000  }
0x7e: {  	[sflag:s6] =	ssyncset.done $0x0  }
0x7f: {  	s0 =	rddreg [dreg:$0x8];
	[sflag:s6] =	ssyncadd.s32 $0xFFFFC000  }
0x80: {  	[hbm4b:s0+s2] =	stream.linear.scatter [tilespmem:s2], [sflag:$0x8], $0x4000, $0x38;
	[tilespmem:$0x1C200] =	vst v63  }
0x81: {  	_ = 	snop  }
0x82: {  	[tilespmem:s15], [sflag:$0x6] =	stream.indirect.gather [hbm4b:s3+s18], $0x80, s21, s18, $0xb8;
	[tilespmem:$0x1C200] =	vst v63  }
0x83: {  	_ =	swait.ge [sflag:s28], $0x4000  }
0x84: {  	[sflag:s28] =	ssyncset.done $0x0  }
0x85: {  	s0 =	rddreg [dreg:$0x9];
	[sflag:s28] =	ssyncadd.s32 $0xFFFFC000  }
0x86: {  	[hbm4b:s0+s2] =	stream.linear.scatter [tilespmem:s26], [sflag:$0x9], $0x4000, $0x38;
	[tilespmem:$0x1C200] =	vst v63  }
0x87: {  	_ = 	snop  }
0x88: {  	[tilespmem:s13], [sflag:$0x7] =	stream.indirect.gather [hbm4b:s4+s18], $0x80, s24, s18, $0xb8;
	[tilespmem:$0x1C200] =	vst v63  }
0x89: {  	_ =	swait.ge [sflag:s25], $0x4000  }
0x8a: {  	[sflag:s25] =	ssyncset.done $0x0  }
0x8b: {  	s0 =	rddreg [dreg:$0xa];
	[sflag:s25] =	ssyncadd.s32 $0xFFFFC000  }
0x8c: {  	[hbm4b:s0+s2] =	stream.linear.scatter [tilespmem:s22], [sflag:$0xA], $0x4000, $0x38;
	[tilespmem:$0x1C200] =	vst v63  }
0x8d: {  	_ =	swait.ge [sflag:s5], $0x4000  }
0x8e: {  	[sflag:s5] =	ssyncset.done $0x0  }
0x8f: {  	[sflag:s5] =	ssyncadd.s32 $0xFFFFC000  }
0x90: {  	[tilespmem:s2], [sflag:$0x1] =	stream.indirect.gather [hbm4b:s3+s18], $0x80, s24, s18, $0xb8;
	[tilespmem:$0x1C200] =	vst v63  }
0x91: {  	_ =	swait.ge [sflag:s23], $0x4000  }
0x92: {  	[sflag:s23] =	ssyncset.done $0x0  }
0x93: {  	s0 =	rddreg [dreg:$0xb];
	[sflag:s23] =	ssyncadd.s32 $0xFFFFC000  }
0x94: {  	[hbm4b:s0+s2] =	stream.linear.scatter [tilespmem:s11], [sflag:$0xB], $0x4000, $0x38;
	[tilespmem:$0x1C200] =	vst v63  }
0x95: {  	_ =	swait.ge [sflag:s20], $0x4000  }
0x96: {  	[sflag:s20] =	ssyncset.done $0x0  }
0x97: {  	s11 =	rddreg [dreg:$0xc];
	[sflag:s20] =	ssyncadd.s32 $0xFFFFC000  }
0x98: {  	[hbm4b:s11+s2] =	stream.linear.scatter [tilespmem:s17], [sflag:$0xC], $0x4000, $0x38;
	[tilespmem:$0x1C200] =	vst v63  }
0x99: {  	_ =	swait.ge [sflag:s19], $0x4000  }
0x9a: {  	[sflag:s19] =	ssyncset.done $0x0  }
0x9b: {  	s11 =	rddreg [dreg:$0xd];
	[sflag:s19] =	ssyncadd.s32 $0xFFFFC000  }
0x9c: {  	[hbm4b:s11+s2] =	stream.linear.scatter [tilespmem:s15], [sflag:$0xD], $0x4000, $0x38;
	[tilespmem:$0x1C200] =	vst v63  }
0x9d: {  	_ =	swait.ge [sflag:s16], $0x4000  }
0x9e: {  	[sflag:s16] =	ssyncset.done $0x0  }
0x9f: {  	s11 =	rddreg [dreg:$0xe];
	[sflag:s16] =	ssyncadd.s32 $0xFFFFC000  }
0xa0: {  	[hbm4b:s11+s2] =	stream.linear.scatter [tilespmem:s13], [sflag:$0xE], $0x4000, $0x38;
	[tilespmem:$0x1C200] =	vst v63  }
0xa1: {  	_ =	swait.ge [sflag:s6], $0x4000  }
0xa2: {  	[sflag:s6] =	ssyncset.done $0x0  }
0xa3: {  	s11 =	rddreg [dreg:$0xf];
	[sflag:s6] =	ssyncadd.s32 $0xFFFFC000  }
0xa4: {  	[hbm4b:s11+s2] =	stream.linear.scatter [tilespmem:s2], [sflag:$0x8], $0x4000, $0x38;
	[tilespmem:$0x1C200] =	vst v63  }
0xa5: {  	_ =	swait.ge [sflag:s14], $0x4000  }
0xa6: {  	[sflag:s14] =	ssyncset.done $0x0  }
0xa7: {  	[sflag:s14] =	ssyncadd.s32 $0xFFFFC000  }
0xa8: {  	_ =	swait.ge [sflag:s12], $0x4000  }
0xa9: {  	[sflag:s12] =	ssyncset.done $0x0  }
0xaa: {  	[sflag:s12] =	ssyncadd.s32 $0xFFFFC000  }
0xab: {  	_ =	swait.ge [sflag:s10], $0x4000  }
0xac: {  	[sflag:s10] =	ssyncset.done $0x0  }
0xad: {  	[sflag:s10] =	ssyncadd.s32 $0xFFFFC000  }
0xae: {  	_ =	swait.ge [sflag:s9], $0x4000  }
0xaf: {  	[sflag:s9] =	ssyncset.done $0x0  }
0xb0: {  	[sflag:s9] =	ssyncadd.s32 $0xFFFFC000  }
0xb1: {  	_ =	swait.ge [sflag:s8], $0x4000  }
0xb2: {  	[sflag:s8] =	ssyncset.done $0x0  }
0xb3: {  	p1 =	sne.s32 s1, $0x1;
	[sflag:s8] =	ssyncadd.s32 $0xFFFFC000  }
.Ltmp2:
0xb4: {  	_ =	swait.ge [sflag:s7], $0x4000;
	(pc) =	sbr.rel @p1 .LBB2_3-.Ltmp2, $4  }
0xb5: {  	[sflag:s7] =	ssyncset.done $0x0  }
0xb6: {  	[sflag:s7] =	ssyncadd.s32 $0xFFFFC000  }
0xb7: {  	_ =	swait.ge [sflag:s5], $0x4000  }
0xb8: {  	s1 =	sadd.s32 $0xFFFFFFFF, s1;
	s0 =	rddreg [dreg:$0x6];
	[sflag:s5] =	ssyncset.done $0x0  }
0xb9: {  	s11 =	stileid.u32  }
.LBB2_5:
0xba: {  	[sflag:s5] =	ssyncadd.s32 @p0 $0xFFFFC000  }
0xbb: {  	[tilespmem:s30], [sflag:$0xF] =	stream.linear.gather [hbm4b:s0+s2], $0x100, $0x38;
	[tilespmem:$0x1C200] =	vst v63  }
0xbc: {  	s1 =	rddreg [dreg:$0x7]  }
0xbd: {  	[tilespmem:s29], [sflag:$0xF] =	stream.linear.gather [hbm4b:s1+s2], $0x100, $0x38;
	[tilespmem:$0x1C200] =	vst v63  }
0xbe: {  	_ =	swait.ge [sflag:s31], $0x100  }
0xbf: {  	[sflag:s31] =	ssyncset.done $0x0  }
0xc0: {  	[sflag:s31] =	ssyncadd.s32 $0xFFFFFF00  }
0xc1: {  	_ =	swait.ge [sflag:s31], $0x100  }
0xc2: {  	[sflag:s31] =	ssyncset.done $0x0  }
0xc3: {  	[sflag:s31] =	ssyncadd.s32 $0xFFFFFF00  }
0xc4: {  	[tilespmem:s2], [sflag:$0x1] =	stream.indirect.gather [hbm4b:s4+s18], $0x80, s30, s18, $0xb8;
	[tilespmem:$0x1C200] =	vst v63  }
0xc5: {  	s26 =	simm.s32 $0x4000  }
0xc6: {  	[tilespmem:s26], [sflag:$0x2] =	stream.indirect.gather [hbm4b:s3+s18], $0x80, s30, s18, $0xb8;
	[tilespmem:$0x1C200] =	vst v63  }
0xc7: {  	s21 =	simm.s32 $0x8000  }
0xc8: {  	[tilespmem:s21], [sflag:$0x3] =	stream.indirect.gather [hbm4b:s4+s18], $0x80, s29, s18, $0xb8;
	[tilespmem:$0x1C200] =	vst v63  }
0xc9: {  	s17 =	simm.s32 $0xC000  }
0xca: {  	[tilespmem:s17], [sflag:$0x4] =	stream.indirect.gather [hbm4b:s3+s18], $0x80, s29, s18, $0xb8;
	[tilespmem:$0x1C200] =	vst v63  }
0xcb: {  	s15 =	simm.s32 $0x10000;
	s22 =	simm.s32 $0x1C080  }
0xcc: {  	[tilespmem:s15], [sflag:$0x5] =	stream.indirect.gather [hbm4b:s4+s18], $0x80, s22, s18, $0xb8;
	[tilespmem:$0x1C200] =	vst v63  }
0xcd: {  	_ =	swait.ge [sflag:s6], $0x4000  }
0xce: {  	[sflag:s6] =	ssyncset.done $0x0  }
0xcf: {  	s29 =	rddreg [dreg:$0x8];
	[sflag:s6] =	ssyncadd.s32 $0xFFFFC000  }
0xd0: {  	[hbm4b:s29+s2] =	stream.linear.scatter [tilespmem:s2], [sflag:$0x8], $0x4000, $0x38;
	[tilespmem:$0x1C200] =	vst v63  }
0xd1: {  	s13 =	simm.s32 $0x14000  }
0xd2: {  	[tilespmem:s13], [sflag:$0x6] =	stream.indirect.gather [hbm4b:s3+s18], $0x80, s22, s18, $0xb8;
	[tilespmem:$0x1C200] =	vst v63  }
0xd3: {  	_ =	swait.ge [sflag:s28], $0x4000  }
0xd4: {  	[sflag:s28] =	ssyncset.done $0x0  }
0xd5: {  	s30 =	rddreg [dreg:$0x9];
	[sflag:s28] =	ssyncadd.s32 $0xFFFFC000  }
0xd6: {  	[hbm4b:s30+s2] =	stream.linear.scatter [tilespmem:s26], [sflag:$0x9], $0x4000, $0x38;
	[tilespmem:$0x1C200] =	vst v63  }
0xd7: {  	s1 =	simm.s32 $0x18000;
	s31 =	simm.s32 $0x1C180  }
0xd8: {  	[tilespmem:s1], [sflag:$0x7] =	stream.indirect.gather [hbm4b:s4+s18], $0x80, s31, s18, $0xb8;
	[tilespmem:$0x1C200] =	vst v63  }
0xd9: {  	_ =	swait.ge [sflag:s25], $0x4000  }
0xda: {  	[sflag:s25] =	ssyncset.done $0x0  }
0xdb: {  	s24 =	rddreg [dreg:$0xa];
	[sflag:s25] =	ssyncadd.s32 $0xFFFFC000  }
0xdc: {  	[hbm4b:s24+s2] =	stream.linear.scatter [tilespmem:s21], [sflag:$0xA], $0x4000, $0x38;
	[tilespmem:$0x1C200] =	vst v63  }
0xdd: {  	_ =	swait.ge [sflag:s5], $0x4000  }
0xde: {  	[sflag:s5] =	ssyncset.done $0x0  }
0xdf: {  	[sflag:s5] =	ssyncadd.s32 $0xFFFFC000  }
0xe0: {  	[tilespmem:s2], [sflag:$0x1] =	stream.indirect.gather [hbm4b:s3+s18], $0x80, s31, s18, $0xb8;
	[tilespmem:$0x1C200] =	vst v63  }
0xe1: {  	_ =	swait.ge [sflag:s23], $0x4000  }
0xe2: {  	[sflag:s23] =	ssyncset.done $0x0  }
0xe3: {  	s26 =	rddreg [dreg:$0xb];
	[sflag:s23] =	ssyncadd.s32 $0xFFFFC000  }
0xe4: {  	[hbm4b:s26+s2] =	stream.linear.scatter [tilespmem:s17], [sflag:$0xB], $0x4000, $0x38;
	[tilespmem:$0x1C200] =	vst v63  }
0xe5: {  	_ =	swait.ge [sflag:s20], $0x4000  }
0xe6: {  	[sflag:s20] =	ssyncset.done $0x0  }
0xe7: {  	s28 =	rddreg [dreg:$0xc];
	[sflag:s20] =	ssyncadd.s32 $0xFFFFC000  }
0xe8: {  	[hbm4b:s28+s2] =	stream.linear.scatter [tilespmem:s15], [sflag:$0xC], $0x4000, $0x38;
	[tilespmem:$0x1C200] =	vst v63  }
0xe9: {  	_ =	swait.ge [sflag:s19], $0x4000  }
0xea: {  	[sflag:s19] =	ssyncset.done $0x0  }
0xeb: {  	s29 =	rddreg [dreg:$0xd];
	[sflag:s19] =	ssyncadd.s32 $0xFFFFC000  }
0xec: {  	[hbm4b:s29+s2] =	stream.linear.scatter [tilespmem:s13], [sflag:$0xD], $0x4000, $0x38;
	[tilespmem:$0x1C200] =	vst v63  }
0xed: {  	_ =	swait.ge [sflag:s16], $0x4000  }
0xee: {  	[sflag:s16] =	ssyncset.done $0x0  }
0xef: {  	s30 =	rddreg [dreg:$0xe];
	[sflag:s16] =	ssyncadd.s32 $0xFFFFC000  }
0xf0: {  	[hbm4b:s30+s2] =	stream.linear.scatter [tilespmem:s1], [sflag:$0xE], $0x4000, $0x38;
	[tilespmem:$0x1C200] =	vst v63  }
0xf1: {  	_ =	swait.ge [sflag:s6], $0x4000  }
0xf2: {  	[sflag:s6] =	ssyncset.done $0x0  }
0xf3: {  	s31 =	rddreg [dreg:$0xf];
	[sflag:s6] =	ssyncadd.s32 $0xFFFFC000  }
0xf4: {  	[hbm4b:s31+s2] =	stream.linear.scatter [tilespmem:s2], [sflag:$0x8], $0x4000, $0x38;
	[tilespmem:$0x1C200] =	vst v63  }
0xf5: {  	_ =	swait.ge [sflag:s14], $0x4000  }
0xf6: {  	[sflag:s14] =	ssyncset.done $0x0  }
0xf7: {  	[sflag:s14] =	ssyncadd.s32 $0xFFFFC000  }
0xf8: {  	_ =	swait.ge [sflag:s12], $0x4000  }
0xf9: {  	[sflag:s12] =	ssyncset.done $0x0  }
0xfa: {  	[sflag:s12] =	ssyncadd.s32 $0xFFFFC000  }
0xfb: {  	_ =	swait.ge [sflag:s10], $0x4000  }
0xfc: {  	[sflag:s10] =	ssyncset.done $0x0  }
0xfd: {  	[sflag:s10] =	ssyncadd.s32 $0xFFFFC000  }
0xfe: {  	_ =	swait.ge [sflag:s9], $0x4000  }
0xff: {  	[sflag:s9] =	ssyncset.done $0x0  }
0x100: {  	[sflag:s9] =	ssyncadd.s32 $0xFFFFC000  }
0x101: {  	_ =	swait.ge [sflag:s8], $0x4000  }
0x102: {  	[sflag:s8] =	ssyncset.done $0x0  }
0x103: {  	[sflag:s8] =	ssyncadd.s32 $0xFFFFC000  }
0x104: {  	_ =	swait.ge [sflag:s7], $0x4000  }
0x105: {  	[sflag:s7] =	ssyncset.done $0x0  }
0x106: {  	[sflag:s7] =	ssyncadd.s32 $0xFFFFC000  }
0x107: {  	_ =	swait.ge [sflag:s5], $0x4000  }
0x108: {  	[sflag:s5] =	ssyncset.done $0x0  }
0x109: {  	[sflag:s5] =	ssyncadd.s32 $0xFFFFC000  }
0x10a: {  	_ =	sfence.sel $0x180000  }
0x10b: {  	[bflag:$0x0] =	sbarrier.arrive $0xFFFF  }
0x10c: {  	_ =	strace $0x90000047  }
0x10d: {  	[bflag:$0x2] =	sbarrier.arrive $0xFFFF  }
0x10e: {  	p0 =	sne.s32 s11, $0x0;
	s0 =	rddreg [dreg:$0x5]  }
0x10f: {  	s0 =	sadd.s32 @!p0 $0x100000, s0  }
0x110: {  	[sflag:s0] =	ssyncadd.tile.s32 @!p0 $0x1;
	_ =	shalt  }
.LBB2_2:
.Ltmp3:
0x111: {  	(pc) =	sbr.rel .LBB2_5-.Ltmp3, $2  }
0x112: {  	_ =	sdelay $0x2  }
0x113: {  	s11 =	stileid.u32  }
.Lfunc_end2:
_tile_overlayer_lowered:
.L_overlay_start_2:
0x114: {  	(tag) =	ssettag $0x2  }
0x115: {  	s0 =	rddreg [dreg:$0x0];
	s2 =	stileid.u32  }
0x116: {  	s1 =	rddreg [dreg:$0x1];
	p0 =	sne.s32 s2, $0x0  }
0x117: {  	s3 =	rddreg [dreg:$0x2];
	[bflag:$0x3] =	sbarrier.arrive $0xFFFF;
	s2 =	simm.s32 @!p0 $0x1C10  }
0x118: {  	[timem:s3], [sflag:s2] =	dma.local @!p0 [hbm:s0], s1  }
0x119: {  	s0 =	simm.s32 @!p0 $0x10  }
0x11a: {  	_ =	swait.ge @!p0 [sflag:s0], s1  }
0x11b: {  	s1 =	ssub.s32 @!p0 $0x0, s1;
	[sflag:s0] =	ssyncset.done @!p0 $0x0  }
0x11c: {  	[sflag:s0] =	ssyncadd.s32 @!p0 s1  }
0x11d: {  	[bflag:$0x3] =	sbarrier.arrive $0xFFFF  }
0x11e: {  	_ =	shalt  }

</sc_bundles>
